<compile_context>
chip_gen: v7x
topology: tpu7x:2x2x1
jax: 0.10.2.dev20260603
libtpu: 0.0.44.dev20260713+nightly
codegen_flags: <defaults>
</compile_context>

<pallas_src>
import functools

import jax
import jax.numpy as jnp
from jax import lax
from jax.experimental import pallas as pl
from jax.experimental.pallas import tpu as pltpu
from jax.experimental.pallas import tpu_sc as plsc

C_IN = 100000
D = 64

NC = 2
NS = 16
NW = NC * NS

BT = 128
NT = 200


def _build():
    mesh = plsc.VectorSubcoreMesh(core_axis_name="c", subcore_axis_name="s")

    @functools.partial(
        pl.kernel,
        mesh=mesh,
        compiler_params=pltpu.CompilerParams(
            use_tc_tiling_on_sc=False, needs_layout_passes=False),
        out_type=jax.ShapeDtypeStruct((NT, 8, NW, 8, BT), jnp.float32),
        scratch_types=[
            pltpu.VMEM((NT, BT), jnp.int32),
            pltpu.VMEM((BT, D), jnp.float32),
            pltpu.VMEM((BT, D), jnp.float32),
            pltpu.VMEM((8, 8, BT), jnp.float32),
            pltpu.VMEM((8, 8, BT), jnp.float32),
            pltpu.SemaphoreType.DMA,
            pltpu.SemaphoreType.DMA,
            pltpu.SemaphoreType.DMA,
            pltpu.SemaphoreType.DMA,
        ],
    )
    def emb_kernel(idx_hbm, table_hbm, out_hbm,
                   idx_v, g0, g1, t0, t1, gs0, gs1, os0, os1):
        cid = lax.axis_index("c")
        sid = lax.axis_index("s")
        wid = sid * NC + cid

        gbufs = (g0, g1)
        tbufs = (t0, t1)
        gsems = (gs0, gs1)
        osems = (os0, os1)

        pltpu.sync_copy(idx_hbm.at[wid], idx_v)

        def fire_gather(t, b):
            pltpu.async_copy(table_hbm.at[idx_v.at[t]], gbufs[b], gsems[b])

        def drain_gather(b):
            pltpu.make_async_copy(
                table_hbm.at[pl.ds(0, BT)], gbufs[b], gsems[b]).wait()

        def fire_out(t, b):
            pltpu.async_copy(tbufs[b], out_hbm.at[t, :, wid], osems[b])

        def drain_out(b):
            pltpu.make_async_copy(
                tbufs[b], out_hbm.at[0, :, wid], osems[b]).wait()

        lanes16 = lax.iota(jnp.int32, 16)
        rowvecs = [lanes16 + (l0 * 16) for l0 in range(8)]

        def transpose_block(gb, tb):
            @plsc.parallel_loop(0, D, unroll=4)
            def _(d):
                col = jnp.full((16,), d, jnp.int32)
                vals = [plsc.load_gather(gb, [rowvecs[l0], col])
                        for l0 in range(8)]
                dst = tb.at[d // 8, d % 8]
                for l0 in range(8):
                    dst[pl.ds(l0 * 16, 16)] = vals[l0]

        fire_gather(0, 0)
        fire_gather(1, 1)

        def chunk_body(c, carry):
            for b in range(2):
                t = 2 * c + b
                drain_gather(b)

                @pl.when(c > 0)
                def _():
                    drain_out(b)

                transpose_block(gbufs[b], tbufs[b])
                fire_out(t, b)
                fire_gather(jnp.minimum(t + 2, NT - 2 + b), b)
            return carry

        lax.fori_loop(0, NT // 2, chunk_body, 0)

        drain_gather(0)
        drain_gather(1)
        drain_out(0)
        drain_out(1)

    return emb_kernel


def kernel(x, W):
    idx = x.T.reshape(NT, NW, BT).transpose(1, 0, 2)
    out5 = _build()(idx, W)
    out = out5.transpose(2, 4, 0, 1, 3).reshape(*x.shape, D)
    return lax.stop_gradient(out)

# --- scband reference (transcript-rebuilt; emitter-appended) ---
"""Pipeline reference for scband-fixed-embedding-28174985462311 (READ-ONLY COPY).

The authoritative reference and input builder live on the scoring server;
editing this copy changes nothing except your own understanding.
"""

import jax, jax.numpy as jnp
import numpy as np

C_IN = 100000
D_MODEL = 64


def _make_fixed_table():
    position = np.arange(C_IN, dtype=np.float32)[:, None]
    div_term = np.exp(np.arange(0, D_MODEL, 2, dtype=np.float32) * -(np.log(10000.0) / D_MODEL))
    w = np.zeros((C_IN, D_MODEL), dtype=np.float32)
    w[:, 0::2] = np.sin(position * div_term)
    w[:, 1::2] = np.cos(position * div_term)
    return jnp.asarray(w)


def setup_inputs(seed: int = 0) -> dict:
    key = jax.random.key(seed)
    # int32 used for indices (in-range for C_IN); avoids requiring jax x64 mode.
    x = jax.random.randint(key, (4096, 200), 0, C_IN, dtype=jnp.int32)
    W = _make_fixed_table()
    return {"x": x, "W": W}


def reference(x, W):
    # nn.Embedding lookup followed by .detach()
    out = jnp.take(W, x, axis=0)
    return jax.lax.stop_gradient(out)

if __name__ == "__main__":
    import jax
    _d = setup_inputs()
    print(jax.jit(kernel)(*tuple(_d.values())))

</pallas_src>

<mosaic_0001>
#map = affine_map<(d0, d1) -> (0, 0, 0)>
#map1 = affine_map<(d0, d1) -> (0, 0)>
#map2 = affine_map<(d0, d1) -> (0, 0, 0, 0, 0)>
module attributes {stable_mosaic.version = 14 : i64} {
  func.func @emb_kernel(%arg0: i32, %arg1: i32, %arg2: memref<32x200x128xi32, #tpu.memory_space<hbm>>, %arg3: memref<100000x64xf32, #tpu.memory_space<hbm>>, %arg4: memref<200x8x32x8x128xf32, #tpu.memory_space<hbm>>, %arg5: memref<200x128xi32, #tpu.memory_space<vmem>>, %arg6: memref<128x64xf32, #tpu.memory_space<vmem>>, %arg7: memref<128x64xf32, #tpu.memory_space<vmem>>, %arg8: memref<8x8x128xf32, #tpu.memory_space<vmem>>, %arg9: memref<8x8x128xf32, #tpu.memory_space<vmem>>, %arg10: memref<!tpu.dma_semaphore, #tpu.memory_space<semaphore_mem>>, %arg11: memref<!tpu.dma_semaphore, #tpu.memory_space<semaphore_mem>>, %arg12: memref<!tpu.dma_semaphore, #tpu.memory_space<semaphore_mem>>, %arg13: memref<!tpu.dma_semaphore, #tpu.memory_space<semaphore_mem>>) attributes {dimension_semantics = [#tpu.dimension_semantics<core_parallel>, #tpu.dimension_semantics<subcore_parallel>], iteration_bounds = array<i64: 2, 16>, scalar_prefetch = 0 : i64, scratch_operands = 9 : i64, tpu.core_type = #tpu.core_type<sc_vector_subcore>, window_params = [{transform_indices = #map}, {transform_indices = #map1}, {transform_indices = #map2}]} {
    %mul3A = arith.constant 2 : i32
    %mul3A_0 = arith.muli %arg1, %mul3A : i32
    %add3A = arith.addi %mul3A_0, %arg0 : i32
    "tpu.region"() ({
      %run_scoped3A = tpu.sem_alloc : memref<!tpu.dma_semaphore, #tpu.memory_space<semaphore_mem>>
      %dma_start3A_76 = arith.constant 0 : i32
      %dma_start3A_77 = arith.constant 0 : i32
      %dma_start3A_78 = tpu.memref_slice %arg2[%add3A, %dma_start3A_76, %dma_start3A_77] : memref<32x200x128xi32, #tpu.memory_space<hbm>> -> memref<1x200x128xi32, #tpu.memory_space<hbm>>
      %dma_start3A_79 = tpu.memref_squeeze %dma_start3A_78 : memref<1x200x128xi32, #tpu.memory_space<hbm>> -> memref<200x128xi32, #tpu.memory_space<hbm>>
      %dma_start3A_80 = arith.constant 0 : i32
      %dma_start3A_81 = arith.constant 0 : i32
      %dma_start3A_82 = tpu.memref_slice %arg2[%add3A, %dma_start3A_80, %dma_start3A_81] : memref<32x200x128xi32, #tpu.memory_space<hbm>> -> memref<1x200x128xi32, #tpu.memory_space<hbm>>
      %dma_start3A_83 = tpu.memref_squeeze %dma_start3A_82 : memref<1x200x128xi32, #tpu.memory_space<hbm>> -> memref<200x128xi32, #tpu.memory_space<hbm>>
      tpu.enqueue_dma source(%dma_start3A_83 : memref<200x128xi32, #tpu.memory_space<hbm>>) target(%arg5 : memref<200x128xi32, #tpu.memory_space<vmem>>) target_semaphore(%run_scoped3A : memref<!tpu.dma_semaphore, #tpu.memory_space<semaphore_mem>>)
      %dma_wait3A_84 = arith.constant 0 : i32
      %dma_wait3A_85 = arith.constant 0 : i32
      %dma_wait3A_86 = tpu.memref_slice %arg2[%add3A, %dma_wait3A_84, %dma_wait3A_85] : memref<32x200x128xi32, #tpu.memory_space<hbm>> -> memref<1x200x128xi32, #tpu.memory_space<hbm>>
      %dma_wait3A_87 = tpu.memref_squeeze %dma_wait3A_86 : memref<1x200x128xi32, #tpu.memory_space<hbm>> -> memref<200x128xi32, #tpu.memory_space<hbm>>
      %dma_wait3A_88 = arith.constant 0 : i32
      %dma_wait3A_89 = arith.constant 0 : i32
      %dma_wait3A_90 = tpu.memref_slice %arg2[%add3A, %dma_wait3A_88, %dma_wait3A_89] : memref<32x200x128xi32, #tpu.memory_space<hbm>> -> memref<1x200x128xi32, #tpu.memory_space<hbm>>
      %dma_wait3A_91 = tpu.memref_squeeze %dma_wait3A_90 : memref<1x200x128xi32, #tpu.memory_space<hbm>> -> memref<200x128xi32, #tpu.memory_space<hbm>>
      tpu.wait_dma2 semaphore(%run_scoped3A : memref<!tpu.dma_semaphore, #tpu.memory_space<semaphore_mem>>) src(%dma_wait3A_91 : memref<200x128xi32, #tpu.memory_space<hbm>>) dst(%arg5 : memref<200x128xi32, #tpu.memory_space<vmem>>)
      tpu.yield
    }) : () -> ()
    %iota3A = tpu.iota {dimensions = array<i32: 0>} : vector<16xi32>
    %add3A_1 = arith.constant 0 : i32
    %add3A_2 = vector.broadcast %add3A_1 : i32 to vector<16xi32>
    %add3A_3 = arith.addi %iota3A, %add3A_2 : vector<16xi32>
    %add3A_4 = arith.constant 16 : i32
    %add3A_5 = vector.broadcast %add3A_4 : i32 to vector<16xi32>
    %add3A_6 = arith.addi %iota3A, %add3A_5 : vector<16xi32>
    %add3A_7 = arith.constant 32 : i32
    %add3A_8 = vector.broadcast %add3A_7 : i32 to vector<16xi32>
    %add3A_9 = arith.addi %iota3A, %add3A_8 : vector<16xi32>
    %add3A_10 = arith.constant 48 : i32
    %add3A_11 = vector.broadcast %add3A_10 : i32 to vector<16xi32>
    %add3A_12 = arith.addi %iota3A, %add3A_11 : vector<16xi32>
    %add3A_13 = arith.constant 64 : i32
    %add3A_14 = vector.broadcast %add3A_13 : i32 to vector<16xi32>
    %add3A_15 = arith.addi %iota3A, %add3A_14 : vector<16xi32>
    %add3A_16 = arith.constant 80 : i32
    %add3A_17 = vector.broadcast %add3A_16 : i32 to vector<16xi32>
    %add3A_18 = arith.addi %iota3A, %add3A_17 : vector<16xi32>
    %add3A_19 = arith.constant 96 : i32
    %add3A_20 = vector.broadcast %add3A_19 : i32 to vector<16xi32>
    %add3A_21 = arith.addi %iota3A, %add3A_20 : vector<16xi32>
    %add3A_22 = arith.constant 112 : i32
    %add3A_23 = vector.broadcast %add3A_22 : i32 to vector<16xi32>
    %add3A_24 = arith.addi %iota3A, %add3A_23 : vector<16xi32>
    %dma_start3A = arith.constant 0 : i32
    %dma_start3A_25 = arith.constant 0 : i32
    %dma_start3A_26 = tpu.memref_slice %arg5[%dma_start3A, %dma_start3A_25] : memref<200x128xi32, #tpu.memory_space<vmem>> -> memref<1x128xi32, #tpu.memory_space<vmem>>
    %dma_start3A_27 = tpu.memref_squeeze %dma_start3A_26 : memref<1x128xi32, #tpu.memory_space<vmem>> -> memref<128xi32, #tpu.memory_space<vmem>>
    %dma_start3A_28 = arith.constant 0 : i32
    %dma_start3A_29 = arith.constant 0 : i32
    %dma_start3A_30 = tpu.memref_slice %arg3[%dma_start3A_28, %dma_start3A_29] : memref<100000x64xf32, #tpu.memory_space<hbm>> -> memref<100000x64xf32, #tpu.memory_space<hbm>>
    tpu.enqueue_indirect_dma source(%dma_start3A_30 : memref<100000x64xf32, #tpu.memory_space<hbm>>) target(%arg6 : memref<128x64xf32, #tpu.memory_space<vmem>>) offsets(%dma_start3A_27 : memref<128xi32, #tpu.memory_space<vmem>>) semaphore(%arg10 : memref<!tpu.dma_semaphore, #tpu.memory_space<semaphore_mem>>)
    %dma_start3A_31 = arith.constant 1 : i32
    %dma_start3A_32 = arith.constant 0 : i32
    %dma_start3A_33 = tpu.memref_slice %arg5[%dma_start3A_31, %dma_start3A_32] : memref<200x128xi32, #tpu.memory_space<vmem>> -> memref<1x128xi32, #tpu.memory_space<vmem>>
    %dma_start3A_34 = tpu.memref_squeeze %dma_start3A_33 : memref<1x128xi32, #tpu.memory_space<vmem>> -> memref<128xi32, #tpu.memory_space<vmem>>
    %dma_start3A_35 = arith.constant 0 : i32
    %dma_start3A_36 = arith.constant 0 : i32
    %dma_start3A_37 = tpu.memref_slice %arg3[%dma_start3A_35, %dma_start3A_36] : memref<100000x64xf32, #tpu.memory_space<hbm>> -> memref<100000x64xf32, #tpu.memory_space<hbm>>
    tpu.enqueue_indirect_dma source(%dma_start3A_37 : memref<100000x64xf32, #tpu.memory_space<hbm>>) target(%arg7 : memref<128x64xf32, #tpu.memory_space<vmem>>) offsets(%dma_start3A_34 : memref<128xi32, #tpu.memory_space<vmem>>) semaphore(%arg11 : memref<!tpu.dma_semaphore, #tpu.memory_space<semaphore_mem>>)
    %scan3A = arith.constant 0 : i32
    %scan3A_38 = arith.constant 0 : i32
    %scan3A_39 = arith.constant 100 : i32
    %scan3A_40 = arith.addi %scan3A_38, %scan3A_39 : i32
    %scan3A_41 = arith.constant 1 : i32
    scf.for %scan3A_76 = %scan3A_38 to %scan3A_40 step %scan3A_41  : i32 {
      %mul3A_77 = arith.constant 2 : i32
      %mul3A_78 = arith.muli %mul3A_77, %scan3A_76 : i32
      %add3A_79 = arith.constant 0 : i32
      %add3A_80 = arith.addi %mul3A_78, %add3A_79 : i32
      %dma_wait3A_81 = arith.constant 0 : i32
      %dma_wait3A_82 = arith.constant 0 : i32
      %dma_wait3A_83 = tpu.memref_slice %arg3[%dma_wait3A_81, %dma_wait3A_82] : memref<100000x64xf32, #tpu.memory_space<hbm>> -> memref<128x64xf32, #tpu.memory_space<hbm>>
      %dma_wait3A_84 = arith.constant 0 : i32
      %dma_wait3A_85 = arith.constant 0 : i32
      %dma_wait3A_86 = tpu.memref_slice %arg3[%dma_wait3A_84, %dma_wait3A_85] : memref<100000x64xf32, #tpu.memory_space<hbm>> -> memref<128x64xf32, #tpu.memory_space<hbm>>
      tpu.wait_dma2 semaphore(%arg10 : memref<!tpu.dma_semaphore, #tpu.memory_space<semaphore_mem>>) src(%dma_wait3A_86 : memref<128x64xf32, #tpu.memory_space<hbm>>) dst(%arg6 : memref<128x64xf32, #tpu.memory_space<vmem>>)
      %gt3A = arith.constant 0 : i32
      %gt3A_87 = arith.cmpi sgt, %scan3A_76, %gt3A : i32
      %convert_element_type3A = arith.extui %gt3A_87 : i1 to i32
      %cond3A = arith.constant 0 : i32
      %cond3A_88 = arith.cmpi ne, %convert_element_type3A, %cond3A : i32
      scf.if %cond3A_88 {
        %dma_wait3A_148 = arith.constant 0 : i32
        %dma_wait3A_149 = arith.constant 0 : i32
        %dma_wait3A_150 = arith.constant 0 : i32
        %dma_wait3A_151 = arith.constant 0 : i32
        %dma_wait3A_152 = tpu.memref_slice %arg4[%dma_wait3A_148, %dma_wait3A_149, %add3A, %dma_wait3A_150, %dma_wait3A_151] : memref<200x8x32x8x128xf32, #tpu.memory_space<hbm>> -> memref<1x8x1x8x128xf32, #tpu.memory_space<hbm>>
        %dma_wait3A_153 = tpu.memref_squeeze %dma_wait3A_152 : memref<1x8x1x8x128xf32, #tpu.memory_space<hbm>> -> memref<8x8x128xf32, #tpu.memory_space<hbm>>
        %dma_wait3A_154 = arith.constant 0 : i32
        %dma_wait3A_155 = arith.constant 0 : i32
        %dma_wait3A_156 = arith.constant 0 : i32
        %dma_wait3A_157 = tpu.memref_slice %arg4[%dma_wait3A_148, %dma_wait3A_154, %add3A, %dma_wait3A_155, %dma_wait3A_156] : memref<200x8x32x8x128xf32, #tpu.memory_space<hbm>> -> memref<1x8x1x8x128xf32, #tpu.memory_space<hbm>>
        %dma_wait3A_158 = tpu.memref_squeeze %dma_wait3A_157 : memref<1x8x1x8x128xf32, #tpu.memory_space<hbm>> -> memref<8x8x128xf32, #tpu.memory_space<hbm>>
        tpu.wait_dma2 semaphore(%arg12 : memref<!tpu.dma_semaphore, #tpu.memory_space<semaphore_mem>>) src(%arg8 : memref<8x8x128xf32, #tpu.memory_space<vmem>>) dst(%dma_wait3A_158 : memref<8x8x128xf32, #tpu.memory_space<hbm>>)
      } else {
      }
      %parallel_loop3A = arith.constant 0 : i32
      %parallel_loop3A_89 = arith.constant 64 : i32
      %parallel_loop3A_90 = arith.constant 1 : i32
      scf.for %parallel_loop3A_148 = %parallel_loop3A to %parallel_loop3A_89 step %parallel_loop3A_90  : i32 {
        %parallel_loop3A_149 = vector.broadcast %parallel_loop3A_148 : i32 to vector<16xi32>
        %parallel_loop3A_150 = tpu.vector_load_idx %arg6[%add3A_3, %parallel_loop3A_149] : memref<128x64xf32, #tpu.memory_space<vmem>>[vector<16xi32>, vector<16xi32>], vector<16xf32>,
        %parallel_loop3A_151 = tpu.vector_load_idx %arg6[%add3A_6, %parallel_loop3A_149] : memref<128x64xf32, #tpu.memory_space<vmem>>[vector<16xi32>, vector<16xi32>], vector<16xf32>,
        %parallel_loop3A_152 = tpu.vector_load_idx %arg6[%add3A_9, %parallel_loop3A_149] : memref<128x64xf32, #tpu.memory_space<vmem>>[vector<16xi32>, vector<16xi32>], vector<16xf32>,
        %parallel_loop3A_153 = tpu.vector_load_idx %arg6[%add3A_12, %parallel_loop3A_149] : memref<128x64xf32, #tpu.memory_space<vmem>>[vector<16xi32>, vector<16xi32>], vector<16xf32>,
        %parallel_loop3A_154 = tpu.vector_load_idx %arg6[%add3A_15, %parallel_loop3A_149] : memref<128x64xf32, #tpu.memory_space<vmem>>[vector<16xi32>, vector<16xi32>], vector<16xf32>,
        %parallel_loop3A_155 = tpu.vector_load_idx %arg6[%add3A_18, %parallel_loop3A_149] : memref<128x64xf32, #tpu.memory_space<vmem>>[vector<16xi32>, vector<16xi32>], vector<16xf32>,
        %parallel_loop3A_156 = tpu.vector_load_idx %arg6[%add3A_21, %parallel_loop3A_149] : memref<128x64xf32, #tpu.memory_space<vmem>>[vector<16xi32>, vector<16xi32>], vector<16xf32>,
        %parallel_loop3A_157 = tpu.vector_load_idx %arg6[%add3A_24, %parallel_loop3A_149] : memref<128x64xf32, #tpu.memory_space<vmem>>[vector<16xi32>, vector<16xi32>], vector<16xf32>,
        %parallel_loop3A_158 = arith.constant 8 : i32
        %parallel_loop3A_159 = arith.divsi %parallel_loop3A_148, %parallel_loop3A_158 : i32
        %parallel_loop3A_160 = arith.constant 0 : i32
        %parallel_loop3A_161 = arith.cmpi sgt, %parallel_loop3A_148, %parallel_loop3A_160 : i32
        %parallel_loop3A_162 = arith.extui %parallel_loop3A_161 : i1 to i32
        %parallel_loop3A_163 = arith.constant 0 : i32
        %parallel_loop3A_164 = arith.cmpi slt, %parallel_loop3A_148, %parallel_loop3A_163 : i32
        %parallel_loop3A_165 = arith.extui %parallel_loop3A_164 : i1 to i32
        %parallel_loop3A_166 = arith.subi %parallel_loop3A_162, %parallel_loop3A_165 : i32
        %parallel_loop3A_167 = arith.constant 0 : i32
        %parallel_loop3A_168 = arith.cmpi sgt, %parallel_loop3A_158, %parallel_loop3A_167 : i32
        %parallel_loop3A_169 = arith.extui %parallel_loop3A_168 : i1 to i32
        %parallel_loop3A_170 = arith.constant 0 : i32
        %parallel_loop3A_171 = arith.cmpi slt, %parallel_loop3A_158, %parallel_loop3A_170 : i32
        %parallel_loop3A_172 = arith.extui %parallel_loop3A_171 : i1 to i32
        %parallel_loop3A_173 = arith.subi %parallel_loop3A_169, %parallel_loop3A_172 : i32
        %parallel_loop3A_174 = arith.cmpi ne, %parallel_loop3A_166, %parallel_loop3A_173 : i32
        %parallel_loop3A_175 = arith.remsi %parallel_loop3A_148, %parallel_loop3A_158 : i32
        %parallel_loop3A_176 = arith.constant 0 : i32
        %parallel_loop3A_177 = arith.cmpi ne, %parallel_loop3A_175, %parallel_loop3A_176 : i32
        %parallel_loop3A_178 = arith.andi %parallel_loop3A_174, %parallel_loop3A_177 : i1
        %parallel_loop3A_179 = arith.constant 1 : i32
        %parallel_loop3A_180 = arith.subi %parallel_loop3A_159, %parallel_loop3A_179 : i32
        %parallel_loop3A_181 = arith.select %parallel_loop3A_178, %parallel_loop3A_180, %parallel_loop3A_159 : i32
        %parallel_loop3A_182 = arith.constant 8 : i32
        %parallel_loop3A_183 = arith.constant 0 : i32
        %parallel_loop3A_184 = arith.cmpi eq, %parallel_loop3A_182, %parallel_loop3A_183 : i32
        %parallel_loop3A_185 = arith.constant 1 : i32
        %parallel_loop3A_186 = arith.select %parallel_loop3A_184, %parallel_loop3A_185, %parallel_loop3A_182 : i32
        %parallel_loop3A_187 = arith.remsi %parallel_loop3A_148, %parallel_loop3A_186 : i32
        %parallel_loop3A_188 = arith.constant 0 : i32
        %parallel_loop3A_189 = arith.cmpi ne, %parallel_loop3A_187, %parallel_loop3A_188 : i32
        %parallel_loop3A_190 = arith.constant 0 : i32
        %parallel_loop3A_191 = arith.cmpi slt, %parallel_loop3A_187, %parallel_loop3A_190 : i32
        %parallel_loop3A_192 = arith.constant 0 : i32
        %parallel_loop3A_193 = arith.cmpi slt, %parallel_loop3A_186, %parallel_loop3A_192 : i32
        %parallel_loop3A_194 = arith.xori %parallel_loop3A_191, %parallel_loop3A_193 : i1
        %parallel_loop3A_195 = arith.andi %parallel_loop3A_194, %parallel_loop3A_189 : i1
        %parallel_loop3A_196 = arith.addi %parallel_loop3A_187, %parallel_loop3A_186 : i32
        %parallel_loop3A_197 = arith.select %parallel_loop3A_195, %parallel_loop3A_196, %parallel_loop3A_187 : i32
        %parallel_loop3A_198 = arith.constant 0 : i32
        %parallel_loop3A_199 = tpu.memref_slice %arg8[%parallel_loop3A_181, %parallel_loop3A_197, %parallel_loop3A_198] : memref<8x8x128xf32, #tpu.memory_space<vmem>> -> memref<1x1x128xf32, #tpu.memory_space<vmem>>
        %parallel_loop3A_200 = tpu.memref_squeeze %parallel_loop3A_199 : memref<1x1x128xf32, #tpu.memory_space<vmem>> -> memref<128xf32, #tpu.memory_space<vmem>>
        %parallel_loop3A_201 = arith.constant 0 : index
        %parallel_loop3A_202 = tpu.vector_load %parallel_loop3A_200[%parallel_loop3A_201] {strides = array<i32>} : memref<128xf32, #tpu.memory_space<vmem>>, vector<16xf32>,
        tpu.vector_store %parallel_loop3A_200[%parallel_loop3A_201], %parallel_loop3A_150 {strides = array<i32>} : memref<128xf32, #tpu.memory_space<vmem>>, vector<16xf32>,
        %parallel_loop3A_203 = arith.constant 0 : i32
        %parallel_loop3A_204 = tpu.memref_slice %arg8[%parallel_loop3A_181, %parallel_loop3A_197, %parallel_loop3A_203] : memref<8x8x128xf32, #tpu.memory_space<vmem>> -> memref<1x1x128xf32, #tpu.memory_space<vmem>>
        %parallel_loop3A_205 = tpu.memref_squeeze %parallel_loop3A_204 : memref<1x1x128xf32, #tpu.memory_space<vmem>> -> memref<128xf32, #tpu.memory_space<vmem>>
        %parallel_loop3A_206 = arith.constant 16 : index
        %parallel_loop3A_207 = tpu.vector_load %parallel_loop3A_205[%parallel_loop3A_206] {strides = array<i32>} : memref<128xf32, #tpu.memory_space<vmem>>, vector<16xf32>,
        tpu.vector_store %parallel_loop3A_205[%parallel_loop3A_206], %parallel_loop3A_151 {strides = array<i32>} : memref<128xf32, #tpu.memory_space<vmem>>, vector<16xf32>,
        %parallel_loop3A_208 = arith.constant 0 : i32
        %parallel_loop3A_209 = tpu.memref_slice %arg8[%parallel_loop3A_181, %parallel_loop3A_197, %parallel_loop3A_208] : memref<8x8x128xf32, #tpu.memory_space<vmem>> -> memref<1x1x128xf32, #tpu.memory_space<vmem>>
        %parallel_loop3A_210 = tpu.memref_squeeze %parallel_loop3A_209 : memref<1x1x128xf32, #tpu.memory_space<vmem>> -> memref<128xf32, #tpu.memory_space<vmem>>
        %parallel_loop3A_211 = arith.constant 32 : index
        %parallel_loop3A_212 = tpu.vector_load %parallel_loop3A_210[%parallel_loop3A_211] {strides = array<i32>} : memref<128xf32, #tpu.memory_space<vmem>>, vector<16xf32>,
        tpu.vector_store %parallel_loop3A_210[%parallel_loop3A_211], %parallel_loop3A_152 {strides = array<i32>} : memref<128xf32, #tpu.memory_space<vmem>>, vector<16xf32>,
        %parallel_loop3A_213 = arith.constant 0 : i32
        %parallel_loop3A_214 = tpu.memref_slice %arg8[%parallel_loop3A_181, %parallel_loop3A_197, %parallel_loop3A_213] : memref<8x8x128xf32, #tpu.memory_space<vmem>> -> memref<1x1x128xf32, #tpu.memory_space<vmem>>
        %parallel_loop3A_215 = tpu.memref_squeeze %parallel_loop3A_214 : memref<1x1x128xf32, #tpu.memory_space<vmem>> -> memref<128xf32, #tpu.memory_space<vmem>>
        %parallel_loop3A_216 = arith.constant 48 : index
        %parallel_loop3A_217 = tpu.vector_load %parallel_loop3A_215[%parallel_loop3A_216] {strides = array<i32>} : memref<128xf32, #tpu.memory_space<vmem>>, vector<16xf32>,
        tpu.vector_store %parallel_loop3A_215[%parallel_loop3A_216], %parallel_loop3A_153 {strides = array<i32>} : memref<128xf32, #tpu.memory_space<vmem>>, vector<16xf32>,
        %parallel_loop3A_218 = arith.constant 0 : i32
        %parallel_loop3A_219 = tpu.memref_slice %arg8[%parallel_loop3A_181, %parallel_loop3A_197, %parallel_loop3A_218] : memref<8x8x128xf32, #tpu.memory_space<vmem>> -> memref<1x1x128xf32, #tpu.memory_space<vmem>>
        %parallel_loop3A_220 = tpu.memref_squeeze %parallel_loop3A_219 : memref<1x1x128xf32, #tpu.memory_space<vmem>> -> memref<128xf32, #tpu.memory_space<vmem>>
        %parallel_loop3A_221 = arith.constant 64 : index
        %parallel_loop3A_222 = tpu.vector_load %parallel_loop3A_220[%parallel_loop3A_221] {strides = array<i32>} : memref<128xf32, #tpu.memory_space<vmem>>, vector<16xf32>,
        tpu.vector_store %parallel_loop3A_220[%parallel_loop3A_221], %parallel_loop3A_154 {strides = array<i32>} : memref<128xf32, #tpu.memory_space<vmem>>, vector<16xf32>,
        %parallel_loop3A_223 = arith.constant 0 : i32
        %parallel_loop3A_224 = tpu.memref_slice %arg8[%parallel_loop3A_181, %parallel_loop3A_197, %parallel_loop3A_223] : memref<8x8x128xf32, #tpu.memory_space<vmem>> -> memref<1x1x128xf32, #tpu.memory_space<vmem>>
        %parallel_loop3A_225 = tpu.memref_squeeze %parallel_loop3A_224 : memref<1x1x128xf32, #tpu.memory_space<vmem>> -> memref<128xf32, #tpu.memory_space<vmem>>
        %parallel_loop3A_226 = arith.constant 80 : index
        %parallel_loop3A_227 = tpu.vector_load %parallel_loop3A_225[%parallel_loop3A_226] {strides = array<i32>} : memref<128xf32, #tpu.memory_space<vmem>>, vector<16xf32>,
        tpu.vector_store %parallel_loop3A_225[%parallel_loop3A_226], %parallel_loop3A_155 {strides = array<i32>} : memref<128xf32, #tpu.memory_space<vmem>>, vector<16xf32>,
        %parallel_loop3A_228 = arith.constant 0 : i32
        %parallel_loop3A_229 = tpu.memref_slice %arg8[%parallel_loop3A_181, %parallel_loop3A_197, %parallel_loop3A_228] : memref<8x8x128xf32, #tpu.memory_space<vmem>> -> memref<1x1x128xf32, #tpu.memory_space<vmem>>
        %parallel_loop3A_230 = tpu.memref_squeeze %parallel_loop3A_229 : memref<1x1x128xf32, #tpu.memory_space<vmem>> -> memref<128xf32, #tpu.memory_space<vmem>>
        %parallel_loop3A_231 = arith.constant 96 : index
        %parallel_loop3A_232 = tpu.vector_load %parallel_loop3A_230[%parallel_loop3A_231] {strides = array<i32>} : memref<128xf32, #tpu.memory_space<vmem>>, vector<16xf32>,
        tpu.vector_store %parallel_loop3A_230[%parallel_loop3A_231], %parallel_loop3A_156 {strides = array<i32>} : memref<128xf32, #tpu.memory_space<vmem>>, vector<16xf32>,
        %parallel_loop3A_233 = arith.constant 0 : i32
        %parallel_loop3A_234 = tpu.memref_slice %arg8[%parallel_loop3A_181, %parallel_loop3A_197, %parallel_loop3A_233] : memref<8x8x128xf32, #tpu.memory_space<vmem>> -> memref<1x1x128xf32, #tpu.memory_space<vmem>>
        %parallel_loop3A_235 = tpu.memref_squeeze %parallel_loop3A_234 : memref<1x1x128xf32, #tpu.memory_space<vmem>> -> memref<128xf32, #tpu.memory_space<vmem>>
        %parallel_loop3A_236 = arith.constant 112 : index
        %parallel_loop3A_237 = tpu.vector_load %parallel_loop3A_235[%parallel_loop3A_236] {strides = array<i32>} : memref<128xf32, #tpu.memory_space<vmem>>, vector<16xf32>,
        tpu.vector_store %parallel_loop3A_235[%parallel_loop3A_236], %parallel_loop3A_157 {strides = array<i32>} : memref<128xf32, #tpu.memory_space<vmem>>, vector<16xf32>,
      } {sc.loop_unroll_factor = 4 : i64, sc.parallel_access}
      %dma_start3A_91 = arith.constant 0 : i32
      %dma_start3A_92 = arith.constant 0 : i32
      %dma_start3A_93 = arith.constant 0 : i32
      %dma_start3A_94 = tpu.memref_slice %arg4[%add3A_80, %dma_start3A_91, %add3A, %dma_start3A_92, %dma_start3A_93] : memref<200x8x32x8x128xf32, #tpu.memory_space<hbm>> -> memref<1x8x1x8x128xf32, #tpu.memory_space<hbm>>
      %dma_start3A_95 = tpu.memref_squeeze %dma_start3A_94 : memref<1x8x1x8x128xf32, #tpu.memory_space<hbm>> -> memref<8x8x128xf32, #tpu.memory_space<hbm>>
      %dma_start3A_96 = arith.constant 0 : i32
      %dma_start3A_97 = arith.constant 0 : i32
      %dma_start3A_98 = arith.constant 0 : i32
      %dma_start3A_99 = tpu.memref_slice %arg4[%add3A_80, %dma_start3A_96, %add3A, %dma_start3A_97, %dma_start3A_98] : memref<200x8x32x8x128xf32, #tpu.memory_space<hbm>> -> memref<1x8x1x8x128xf32, #tpu.memory_space<hbm>>
      %dma_start3A_100 = tpu.memref_squeeze %dma_start3A_99 : memref<1x8x1x8x128xf32, #tpu.memory_space<hbm>> -> memref<8x8x128xf32, #tpu.memory_space<hbm>>
      tpu.enqueue_dma source(%arg8 : memref<8x8x128xf32, #tpu.memory_space<vmem>>) target(%dma_start3A_100 : memref<8x8x128xf32, #tpu.memory_space<hbm>>) target_semaphore(%arg12 : memref<!tpu.dma_semaphore, #tpu.memory_space<semaphore_mem>>)
      %add3A_101 = arith.constant 2 : i32
      %add3A_102 = arith.addi %add3A_80, %add3A_101 : i32
      %min3A = arith.constant 198 : i32
      %min3A_103 = arith.minsi %add3A_102, %min3A : i32
      %dma_start3A_104 = arith.constant 0 : i32
      %dma_start3A_105 = tpu.memref_slice %arg5[%min3A_103, %dma_start3A_104] : memref<200x128xi32, #tpu.memory_space<vmem>> -> memref<1x128xi32, #tpu.memory_space<vmem>>
      %dma_start3A_106 = tpu.memref_squeeze %dma_start3A_105 : memref<1x128xi32, #tpu.memory_space<vmem>> -> memref<128xi32, #tpu.memory_space<vmem>>
      %dma_start3A_107 = arith.constant 0 : i32
      %dma_start3A_108 = arith.constant 0 : i32
      %dma_start3A_109 = tpu.memref_slice %arg3[%dma_start3A_107, %dma_start3A_108] : memref<100000x64xf32, #tpu.memory_space<hbm>> -> memref<100000x64xf32, #tpu.memory_space<hbm>>
      tpu.enqueue_indirect_dma source(%dma_start3A_109 : memref<100000x64xf32, #tpu.memory_space<hbm>>) target(%arg6 : memref<128x64xf32, #tpu.memory_space<vmem>>) offsets(%dma_start3A_106 : memref<128xi32, #tpu.memory_space<vmem>>) semaphore(%arg10 : memref<!tpu.dma_semaphore, #tpu.memory_space<semaphore_mem>>)
      %mul3A_110 = arith.constant 2 : i32
      %mul3A_111 = arith.muli %mul3A_110, %scan3A_76 : i32
      %add3A_112 = arith.constant 1 : i32
      %add3A_113 = arith.addi %mul3A_111, %add3A_112 : i32
      %dma_wait3A_114 = arith.constant 0 : i32
      %dma_wait3A_115 = arith.constant 0 : i32
      %dma_wait3A_116 = tpu.memref_slice %arg3[%dma_wait3A_114, %dma_wait3A_115] : memref<100000x64xf32, #tpu.memory_space<hbm>> -> memref<128x64xf32, #tpu.memory_space<hbm>>
      %dma_wait3A_117 = arith.constant 0 : i32
      %dma_wait3A_118 = arith.constant 0 : i32
      %dma_wait3A_119 = tpu.memref_slice %arg3[%dma_wait3A_117, %dma_wait3A_118] : memref<100000x64xf32, #tpu.memory_space<hbm>> -> memref<128x64xf32, #tpu.memory_space<hbm>>
      tpu.wait_dma2 semaphore(%arg11 : memref<!tpu.dma_semaphore, #tpu.memory_space<semaphore_mem>>) src(%dma_wait3A_119 : memref<128x64xf32, #tpu.memory_space<hbm>>) dst(%arg7 : memref<128x64xf32, #tpu.memory_space<vmem>>)
      %gt3A_120 = arith.constant 0 : i32
      %gt3A_121 = arith.cmpi sgt, %scan3A_76, %gt3A_120 : i32
      %convert_element_type3A_122 = arith.extui %gt3A_121 : i1 to i32
      %cond3A_123 = arith.constant 0 : i32
      %cond3A_124 = arith.cmpi ne, %convert_element_type3A_122, %cond3A_123 : i32
      scf.if %cond3A_124 {
        %dma_wait3A_148 = arith.constant 0 : i32
        %dma_wait3A_149 = arith.constant 0 : i32
        %dma_wait3A_150 = arith.constant 0 : i32
        %dma_wait3A_151 = arith.constant 0 : i32
        %dma_wait3A_152 = tpu.memref_slice %arg4[%dma_wait3A_148, %dma_wait3A_149, %add3A, %dma_wait3A_150, %dma_wait3A_151] : memref<200x8x32x8x128xf32, #tpu.memory_space<hbm>> -> memref<1x8x1x8x128xf32, #tpu.memory_space<hbm>>
        %dma_wait3A_153 = tpu.memref_squeeze %dma_wait3A_152 : memref<1x8x1x8x128xf32, #tpu.memory_space<hbm>> -> memref<8x8x128xf32, #tpu.memory_space<hbm>>
        %dma_wait3A_154 = arith.constant 0 : i32
        %dma_wait3A_155 = arith.constant 0 : i32
        %dma_wait3A_156 = arith.constant 0 : i32
        %dma_wait3A_157 = tpu.memref_slice %arg4[%dma_wait3A_148, %dma_wait3A_154, %add3A, %dma_wait3A_155, %dma_wait3A_156] : memref<200x8x32x8x128xf32, #tpu.memory_space<hbm>> -> memref<1x8x1x8x128xf32, #tpu.memory_space<hbm>>
        %dma_wait3A_158 = tpu.memref_squeeze %dma_wait3A_157 : memref<1x8x1x8x128xf32, #tpu.memory_space<hbm>> -> memref<8x8x128xf32, #tpu.memory_space<hbm>>
        tpu.wait_dma2 semaphore(%arg13 : memref<!tpu.dma_semaphore, #tpu.memory_space<semaphore_mem>>) src(%arg9 : memref<8x8x128xf32, #tpu.memory_space<vmem>>) dst(%dma_wait3A_158 : memref<8x8x128xf32, #tpu.memory_space<hbm>>)
      } else {
      }
      %parallel_loop3A_125 = arith.constant 0 : i32
      %parallel_loop3A_126 = arith.constant 64 : i32
      %parallel_loop3A_127 = arith.constant 1 : i32
      scf.for %parallel_loop3A_148 = %parallel_loop3A_125 to %parallel_loop3A_126 step %parallel_loop3A_127  : i32 {
        %parallel_loop3A_149 = vector.broadcast %parallel_loop3A_148 : i32 to vector<16xi32>
        %parallel_loop3A_150 = tpu.vector_load_idx %arg7[%add3A_3, %parallel_loop3A_149] : memref<128x64xf32, #tpu.memory_space<vmem>>[vector<16xi32>, vector<16xi32>], vector<16xf32>,
        %parallel_loop3A_151 = tpu.vector_load_idx %arg7[%add3A_6, %parallel_loop3A_149] : memref<128x64xf32, #tpu.memory_space<vmem>>[vector<16xi32>, vector<16xi32>], vector<16xf32>,
        %parallel_loop3A_152 = tpu.vector_load_idx %arg7[%add3A_9, %parallel_loop3A_149] : memref<128x64xf32, #tpu.memory_space<vmem>>[vector<16xi32>, vector<16xi32>], vector<16xf32>,
        %parallel_loop3A_153 = tpu.vector_load_idx %arg7[%add3A_12, %parallel_loop3A_149] : memref<128x64xf32, #tpu.memory_space<vmem>>[vector<16xi32>, vector<16xi32>], vector<16xf32>,
        %parallel_loop3A_154 = tpu.vector_load_idx %arg7[%add3A_15, %parallel_loop3A_149] : memref<128x64xf32, #tpu.memory_space<vmem>>[vector<16xi32>, vector<16xi32>], vector<16xf32>,
        %parallel_loop3A_155 = tpu.vector_load_idx %arg7[%add3A_18, %parallel_loop3A_149] : memref<128x64xf32, #tpu.memory_space<vmem>>[vector<16xi32>, vector<16xi32>], vector<16xf32>,
        %parallel_loop3A_156 = tpu.vector_load_idx %arg7[%add3A_21, %parallel_loop3A_149] : memref<128x64xf32, #tpu.memory_space<vmem>>[vector<16xi32>, vector<16xi32>], vector<16xf32>,
        %parallel_loop3A_157 = tpu.vector_load_idx %arg7[%add3A_24, %parallel_loop3A_149] : memref<128x64xf32, #tpu.memory_space<vmem>>[vector<16xi32>, vector<16xi32>], vector<16xf32>,
        %parallel_loop3A_158 = arith.constant 8 : i32
        %parallel_loop3A_159 = arith.divsi %parallel_loop3A_148, %parallel_loop3A_158 : i32
        %parallel_loop3A_160 = arith.constant 0 : i32
        %parallel_loop3A_161 = arith.cmpi sgt, %parallel_loop3A_148, %parallel_loop3A_160 : i32
        %parallel_loop3A_162 = arith.extui %parallel_loop3A_161 : i1 to i32
        %parallel_loop3A_163 = arith.constant 0 : i32
        %parallel_loop3A_164 = arith.cmpi slt, %parallel_loop3A_148, %parallel_loop3A_163 : i32
        %parallel_loop3A_165 = arith.extui %parallel_loop3A_164 : i1 to i32
        %parallel_loop3A_166 = arith.subi %parallel_loop3A_162, %parallel_loop3A_165 : i32
        %parallel_loop3A_167 = arith.constant 0 : i32
        %parallel_loop3A_168 = arith.cmpi sgt, %parallel_loop3A_158, %parallel_loop3A_167 : i32
        %parallel_loop3A_169 = arith.extui %parallel_loop3A_168 : i1 to i32
        %parallel_loop3A_170 = arith.constant 0 : i32
        %parallel_loop3A_171 = arith.cmpi slt, %parallel_loop3A_158, %parallel_loop3A_170 : i32
        %parallel_loop3A_172 = arith.extui %parallel_loop3A_171 : i1 to i32
        %parallel_loop3A_173 = arith.subi %parallel_loop3A_169, %parallel_loop3A_172 : i32
        %parallel_loop3A_174 = arith.cmpi ne, %parallel_loop3A_166, %parallel_loop3A_173 : i32
        %parallel_loop3A_175 = arith.remsi %parallel_loop3A_148, %parallel_loop3A_158 : i32
        %parallel_loop3A_176 = arith.constant 0 : i32
        %parallel_loop3A_177 = arith.cmpi ne, %parallel_loop3A_175, %parallel_loop3A_176 : i32
        %parallel_loop3A_178 = arith.andi %parallel_loop3A_174, %parallel_loop3A_177 : i1
        %parallel_loop3A_179 = arith.constant 1 : i32
        %parallel_loop3A_180 = arith.subi %parallel_loop3A_159, %parallel_loop3A_179 : i32
        %parallel_loop3A_181 = arith.select %parallel_loop3A_178, %parallel_loop3A_180, %parallel_loop3A_159 : i32
        %parallel_loop3A_182 = arith.constant 8 : i32
        %parallel_loop3A_183 = arith.constant 0 : i32
        %parallel_loop3A_184 = arith.cmpi eq, %parallel_loop3A_182, %parallel_loop3A_183 : i32
        %parallel_loop3A_185 = arith.constant 1 : i32
        %parallel_loop3A_186 = arith.select %parallel_loop3A_184, %parallel_loop3A_185, %parallel_loop3A_182 : i32
        %parallel_loop3A_187 = arith.remsi %parallel_loop3A_148, %parallel_loop3A_186 : i32
        %parallel_loop3A_188 = arith.constant 0 : i32
        %parallel_loop3A_189 = arith.cmpi ne, %parallel_loop3A_187, %parallel_loop3A_188 : i32
        %parallel_loop3A_190 = arith.constant 0 : i32
        %parallel_loop3A_191 = arith.cmpi slt, %parallel_loop3A_187, %parallel_loop3A_190 : i32
        %parallel_loop3A_192 = arith.constant 0 : i32
        %parallel_loop3A_193 = arith.cmpi slt, %parallel_loop3A_186, %parallel_loop3A_192 : i32
        %parallel_loop3A_194 = arith.xori %parallel_loop3A_191, %parallel_loop3A_193 : i1
        %parallel_loop3A_195 = arith.andi %parallel_loop3A_194, %parallel_loop3A_189 : i1
        %parallel_loop3A_196 = arith.addi %parallel_loop3A_187, %parallel_loop3A_186 : i32
        %parallel_loop3A_197 = arith.select %parallel_loop3A_195, %parallel_loop3A_196, %parallel_loop3A_187 : i32
        %parallel_loop3A_198 = arith.constant 0 : i32
        %parallel_loop3A_199 = tpu.memref_slice %arg9[%parallel_loop3A_181, %parallel_loop3A_197, %parallel_loop3A_198] : memref<8x8x128xf32, #tpu.memory_space<vmem>> -> memref<1x1x128xf32, #tpu.memory_space<vmem>>
        %parallel_loop3A_200 = tpu.memref_squeeze %parallel_loop3A_199 : memref<1x1x128xf32, #tpu.memory_space<vmem>> -> memref<128xf32, #tpu.memory_space<vmem>>
        %parallel_loop3A_201 = arith.constant 0 : index
        %parallel_loop3A_202 = tpu.vector_load %parallel_loop3A_200[%parallel_loop3A_201] {strides = array<i32>} : memref<128xf32, #tpu.memory_space<vmem>>, vector<16xf32>,
        tpu.vector_store %parallel_loop3A_200[%parallel_loop3A_201], %parallel_loop3A_150 {strides = array<i32>} : memref<128xf32, #tpu.memory_space<vmem>>, vector<16xf32>,
        %parallel_loop3A_203 = arith.constant 0 : i32
        %parallel_loop3A_204 = tpu.memref_slice %arg9[%parallel_loop3A_181, %parallel_loop3A_197, %parallel_loop3A_203] : memref<8x8x128xf32, #tpu.memory_space<vmem>> -> memref<1x1x128xf32, #tpu.memory_space<vmem>>
        %parallel_loop3A_205 = tpu.memref_squeeze %parallel_loop3A_204 : memref<1x1x128xf32, #tpu.memory_space<vmem>> -> memref<128xf32, #tpu.memory_space<vmem>>
        %parallel_loop3A_206 = arith.constant 16 : index
        %parallel_loop3A_207 = tpu.vector_load %parallel_loop3A_205[%parallel_loop3A_206] {strides = array<i32>} : memref<128xf32, #tpu.memory_space<vmem>>, vector<16xf32>,
        tpu.vector_store %parallel_loop3A_205[%parallel_loop3A_206], %parallel_loop3A_151 {strides = array<i32>} : memref<128xf32, #tpu.memory_space<vmem>>, vector<16xf32>,
        %parallel_loop3A_208 = arith.constant 0 : i32
        %parallel_loop3A_209 = tpu.memref_slice %arg9[%parallel_loop3A_181, %parallel_loop3A_197, %parallel_loop3A_208] : memref<8x8x128xf32, #tpu.memory_space<vmem>> -> memref<1x1x128xf32, #tpu.memory_space<vmem>>
        %parallel_loop3A_210 = tpu.memref_squeeze %parallel_loop3A_209 : memref<1x1x128xf32, #tpu.memory_space<vmem>> -> memref<128xf32, #tpu.memory_space<vmem>>
        %parallel_loop3A_211 = arith.constant 32 : index
        %parallel_loop3A_212 = tpu.vector_load %parallel_loop3A_210[%parallel_loop3A_211] {strides = array<i32>} : memref<128xf32, #tpu.memory_space<vmem>>, vector<16xf32>,
        tpu.vector_store %parallel_loop3A_210[%parallel_loop3A_211], %parallel_loop3A_152 {strides = array<i32>} : memref<128xf32, #tpu.memory_space<vmem>>, vector<16xf32>,
        %parallel_loop3A_213 = arith.constant 0 : i32
        %parallel_loop3A_214 = tpu.memref_slice %arg9[%parallel_loop3A_181, %parallel_loop3A_197, %parallel_loop3A_213] : memref<8x8x128xf32, #tpu.memory_space<vmem>> -> memref<1x1x128xf32, #tpu.memory_space<vmem>>
        %parallel_loop3A_215 = tpu.memref_squeeze %parallel_loop3A_214 : memref<1x1x128xf32, #tpu.memory_space<vmem>> -> memref<128xf32, #tpu.memory_space<vmem>>
        %parallel_loop3A_216 = arith.constant 48 : index
        %parallel_loop3A_217 = tpu.vector_load %parallel_loop3A_215[%parallel_loop3A_216] {strides = array<i32>} : memref<128xf32, #tpu.memory_space<vmem>>, vector<16xf32>,
        tpu.vector_store %parallel_loop3A_215[%parallel_loop3A_216], %parallel_loop3A_153 {strides = array<i32>} : memref<128xf32, #tpu.memory_space<vmem>>, vector<16xf32>,
        %parallel_loop3A_218 = arith.constant 0 : i32
        %parallel_loop3A_219 = tpu.memref_slice %arg9[%parallel_loop3A_181, %parallel_loop3A_197, %parallel_loop3A_218] : memref<8x8x128xf32, #tpu.memory_space<vmem>> -> memref<1x1x128xf32, #tpu.memory_space<vmem>>
        %parallel_loop3A_220 = tpu.memref_squeeze %parallel_loop3A_219 : memref<1x1x128xf32, #tpu.memory_space<vmem>> -> memref<128xf32, #tpu.memory_space<vmem>>
        %parallel_loop3A_221 = arith.constant 64 : index
        %parallel_loop3A_222 = tpu.vector_load %parallel_loop3A_220[%parallel_loop3A_221] {strides = array<i32>} : memref<128xf32, #tpu.memory_space<vmem>>, vector<16xf32>,
        tpu.vector_store %parallel_loop3A_220[%parallel_loop3A_221], %parallel_loop3A_154 {strides = array<i32>} : memref<128xf32, #tpu.memory_space<vmem>>, vector<16xf32>,
        %parallel_loop3A_223 = arith.constant 0 : i32
        %parallel_loop3A_224 = tpu.memref_slice %arg9[%parallel_loop3A_181, %parallel_loop3A_197, %parallel_loop3A_223] : memref<8x8x128xf32, #tpu.memory_space<vmem>> -> memref<1x1x128xf32, #tpu.memory_space<vmem>>
        %parallel_loop3A_225 = tpu.memref_squeeze %parallel_loop3A_224 : memref<1x1x128xf32, #tpu.memory_space<vmem>> -> memref<128xf32, #tpu.memory_space<vmem>>
        %parallel_loop3A_226 = arith.constant 80 : index
        %parallel_loop3A_227 = tpu.vector_load %parallel_loop3A_225[%parallel_loop3A_226] {strides = array<i32>} : memref<128xf32, #tpu.memory_space<vmem>>, vector<16xf32>,
        tpu.vector_store %parallel_loop3A_225[%parallel_loop3A_226], %parallel_loop3A_155 {strides = array<i32>} : memref<128xf32, #tpu.memory_space<vmem>>, vector<16xf32>,
        %parallel_loop3A_228 = arith.constant 0 : i32
        %parallel_loop3A_229 = tpu.memref_slice %arg9[%parallel_loop3A_181, %parallel_loop3A_197, %parallel_loop3A_228] : memref<8x8x128xf32, #tpu.memory_space<vmem>> -> memref<1x1x128xf32, #tpu.memory_space<vmem>>
        %parallel_loop3A_230 = tpu.memref_squeeze %parallel_loop3A_229 : memref<1x1x128xf32, #tpu.memory_space<vmem>> -> memref<128xf32, #tpu.memory_space<vmem>>
        %parallel_loop3A_231 = arith.constant 96 : index
        %parallel_loop3A_232 = tpu.vector_load %parallel_loop3A_230[%parallel_loop3A_231] {strides = array<i32>} : memref<128xf32, #tpu.memory_space<vmem>>, vector<16xf32>,
        tpu.vector_store %parallel_loop3A_230[%parallel_loop3A_231], %parallel_loop3A_156 {strides = array<i32>} : memref<128xf32, #tpu.memory_space<vmem>>, vector<16xf32>,
        %parallel_loop3A_233 = arith.constant 0 : i32
        %parallel_loop3A_234 = tpu.memref_slice %arg9[%parallel_loop3A_181, %parallel_loop3A_197, %parallel_loop3A_233] : memref<8x8x128xf32, #tpu.memory_space<vmem>> -> memref<1x1x128xf32, #tpu.memory_space<vmem>>
        %parallel_loop3A_235 = tpu.memref_squeeze %parallel_loop3A_234 : memref<1x1x128xf32, #tpu.memory_space<vmem>> -> memref<128xf32, #tpu.memory_space<vmem>>
        %parallel_loop3A_236 = arith.constant 112 : index
        %parallel_loop3A_237 = tpu.vector_load %parallel_loop3A_235[%parallel_loop3A_236] {strides = array<i32>} : memref<128xf32, #tpu.memory_space<vmem>>, vector<16xf32>,
        tpu.vector_store %parallel_loop3A_235[%parallel_loop3A_236], %parallel_loop3A_157 {strides = array<i32>} : memref<128xf32, #tpu.memory_space<vmem>>, vector<16xf32>,
      } {sc.loop_unroll_factor = 4 : i64, sc.parallel_access}
      %dma_start3A_128 = arith.constant 0 : i32
      %dma_start3A_129 = arith.constant 0 : i32
      %dma_start3A_130 = arith.constant 0 : i32
      %dma_start3A_131 = tpu.memref_slice %arg4[%add3A_113, %dma_start3A_128, %add3A, %dma_start3A_129, %dma_start3A_130] : memref<200x8x32x8x128xf32, #tpu.memory_space<hbm>> -> memref<1x8x1x8x128xf32, #tpu.memory_space<hbm>>
      %dma_start3A_132 = tpu.memref_squeeze %dma_start3A_131 : memref<1x8x1x8x128xf32, #tpu.memory_space<hbm>> -> memref<8x8x128xf32, #tpu.memory_space<hbm>>
      %dma_start3A_133 = arith.constant 0 : i32
      %dma_start3A_134 = arith.constant 0 : i32
      %dma_start3A_135 = arith.constant 0 : i32
      %dma_start3A_136 = tpu.memref_slice %arg4[%add3A_113, %dma_start3A_133, %add3A, %dma_start3A_134, %dma_start3A_135] : memref<200x8x32x8x128xf32, #tpu.memory_space<hbm>> -> memref<1x8x1x8x128xf32, #tpu.memory_space<hbm>>
      %dma_start3A_137 = tpu.memref_squeeze %dma_start3A_136 : memref<1x8x1x8x128xf32, #tpu.memory_space<hbm>> -> memref<8x8x128xf32, #tpu.memory_space<hbm>>
      tpu.enqueue_dma source(%arg9 : memref<8x8x128xf32, #tpu.memory_space<vmem>>) target(%dma_start3A_137 : memref<8x8x128xf32, #tpu.memory_space<hbm>>) target_semaphore(%arg13 : memref<!tpu.dma_semaphore, #tpu.memory_space<semaphore_mem>>)
      %add3A_138 = arith.constant 2 : i32
      %add3A_139 = arith.addi %add3A_113, %add3A_138 : i32
      %min3A_140 = arith.constant 199 : i32
      %min3A_141 = arith.minsi %add3A_139, %min3A_140 : i32
      %dma_start3A_142 = arith.constant 0 : i32
      %dma_start3A_143 = tpu.memref_slice %arg5[%min3A_141, %dma_start3A_142] : memref<200x128xi32, #tpu.memory_space<vmem>> -> memref<1x128xi32, #tpu.memory_space<vmem>>
      %dma_start3A_144 = tpu.memref_squeeze %dma_start3A_143 : memref<1x128xi32, #tpu.memory_space<vmem>> -> memref<128xi32, #tpu.memory_space<vmem>>
      %dma_start3A_145 = arith.constant 0 : i32
      %dma_start3A_146 = arith.constant 0 : i32
      %dma_start3A_147 = tpu.memref_slice %arg3[%dma_start3A_145, %dma_start3A_146] : memref<100000x64xf32, #tpu.memory_space<hbm>> -> memref<100000x64xf32, #tpu.memory_space<hbm>>
      tpu.enqueue_indirect_dma source(%dma_start3A_147 : memref<100000x64xf32, #tpu.memory_space<hbm>>) target(%arg7 : memref<128x64xf32, #tpu.memory_space<vmem>>) offsets(%dma_start3A_144 : memref<128xi32, #tpu.memory_space<vmem>>) semaphore(%arg11 : memref<!tpu.dma_semaphore, #tpu.memory_space<semaphore_mem>>)
    }
    %scan3A_42 = arith.constant 100 : i32
    %dma_wait3A = arith.constant 0 : i32
    %dma_wait3A_43 = arith.constant 0 : i32
    %dma_wait3A_44 = tpu.memref_slice %arg3[%dma_wait3A, %dma_wait3A_43] : memref<100000x64xf32, #tpu.memory_space<hbm>> -> memref<128x64xf32, #tpu.memory_space<hbm>>
    %dma_wait3A_45 = arith.constant 0 : i32
    %dma_wait3A_46 = arith.constant 0 : i32
    %dma_wait3A_47 = tpu.memref_slice %arg3[%dma_wait3A_45, %dma_wait3A_46] : memref<100000x64xf32, #tpu.memory_space<hbm>> -> memref<128x64xf32, #tpu.memory_space<hbm>>
    tpu.wait_dma2 semaphore(%arg10 : memref<!tpu.dma_semaphore, #tpu.memory_space<semaphore_mem>>) src(%dma_wait3A_47 : memref<128x64xf32, #tpu.memory_space<hbm>>) dst(%arg6 : memref<128x64xf32, #tpu.memory_space<vmem>>)
    %dma_wait3A_48 = arith.constant 0 : i32
    %dma_wait3A_49 = arith.constant 0 : i32
    %dma_wait3A_50 = tpu.memref_slice %arg3[%dma_wait3A_48, %dma_wait3A_49] : memref<100000x64xf32, #tpu.memory_space<hbm>> -> memref<128x64xf32, #tpu.memory_space<hbm>>
    %dma_wait3A_51 = arith.constant 0 : i32
    %dma_wait3A_52 = arith.constant 0 : i32
    %dma_wait3A_53 = tpu.memref_slice %arg3[%dma_wait3A_51, %dma_wait3A_52] : memref<100000x64xf32, #tpu.memory_space<hbm>> -> memref<128x64xf32, #tpu.memory_space<hbm>>
    tpu.wait_dma2 semaphore(%arg11 : memref<!tpu.dma_semaphore, #tpu.memory_space<semaphore_mem>>) src(%dma_wait3A_53 : memref<128x64xf32, #tpu.memory_space<hbm>>) dst(%arg7 : memref<128x64xf32, #tpu.memory_space<vmem>>)
    %dma_wait3A_54 = arith.constant 0 : i32
    %dma_wait3A_55 = arith.constant 0 : i32
    %dma_wait3A_56 = arith.constant 0 : i32
    %dma_wait3A_57 = arith.constant 0 : i32
    %dma_wait3A_58 = tpu.memref_slice %arg4[%dma_wait3A_54, %dma_wait3A_55, %add3A, %dma_wait3A_56, %dma_wait3A_57] : memref<200x8x32x8x128xf32, #tpu.memory_space<hbm>> -> memref<1x8x1x8x128xf32, #tpu.memory_space<hbm>>
    %dma_wait3A_59 = tpu.memref_squeeze %dma_wait3A_58 : memref<1x8x1x8x128xf32, #tpu.memory_space<hbm>> -> memref<8x8x128xf32, #tpu.memory_space<hbm>>
    %dma_wait3A_60 = arith.constant 0 : i32
    %dma_wait3A_61 = arith.constant 0 : i32
    %dma_wait3A_62 = arith.constant 0 : i32
    %dma_wait3A_63 = tpu.memref_slice %arg4[%dma_wait3A_54, %dma_wait3A_60, %add3A, %dma_wait3A_61, %dma_wait3A_62] : memref<200x8x32x8x128xf32, #tpu.memory_space<hbm>> -> memref<1x8x1x8x128xf32, #tpu.memory_space<hbm>>
    %dma_wait3A_64 = tpu.memref_squeeze %dma_wait3A_63 : memref<1x8x1x8x128xf32, #tpu.memory_space<hbm>> -> memref<8x8x128xf32, #tpu.memory_space<hbm>>
    tpu.wait_dma2 semaphore(%arg12 : memref<!tpu.dma_semaphore, #tpu.memory_space<semaphore_mem>>) src(%arg8 : memref<8x8x128xf32, #tpu.memory_space<vmem>>) dst(%dma_wait3A_64 : memref<8x8x128xf32, #tpu.memory_space<hbm>>)
    %dma_wait3A_65 = arith.constant 0 : i32
    %dma_wait3A_66 = arith.constant 0 : i32
    %dma_wait3A_67 = arith.constant 0 : i32
    %dma_wait3A_68 = arith.constant 0 : i32
    %dma_wait3A_69 = tpu.memref_slice %arg4[%dma_wait3A_65, %dma_wait3A_66, %add3A, %dma_wait3A_67, %dma_wait3A_68] : memref<200x8x32x8x128xf32, #tpu.memory_space<hbm>> -> memref<1x8x1x8x128xf32, #tpu.memory_space<hbm>>
    %dma_wait3A_70 = tpu.memref_squeeze %dma_wait3A_69 : memref<1x8x1x8x128xf32, #tpu.memory_space<hbm>> -> memref<8x8x128xf32, #tpu.memory_space<hbm>>
    %dma_wait3A_71 = arith.constant 0 : i32
    %dma_wait3A_72 = arith.constant 0 : i32
    %dma_wait3A_73 = arith.constant 0 : i32
    %dma_wait3A_74 = tpu.memref_slice %arg4[%dma_wait3A_65, %dma_wait3A_71, %add3A, %dma_wait3A_72, %dma_wait3A_73] : memref<200x8x32x8x128xf32, #tpu.memory_space<hbm>> -> memref<1x8x1x8x128xf32, #tpu.memory_space<hbm>>
    %dma_wait3A_75 = tpu.memref_squeeze %dma_wait3A_74 : memref<1x8x1x8x128xf32, #tpu.memory_space<hbm>> -> memref<8x8x128xf32, #tpu.memory_space<hbm>>
    tpu.wait_dma2 semaphore(%arg13 : memref<!tpu.dma_semaphore, #tpu.memory_space<semaphore_mem>>) src(%arg9 : memref<8x8x128xf32, #tpu.memory_space<vmem>>) dst(%dma_wait3A_75 : memref<8x8x128xf32, #tpu.memory_space<hbm>>)
    return
  }
}

</mosaic_0001>

<sc_bundles>
// kernel: kernel.3.cloned.1.call-start
scs
__scs_entry_jumppad:
0x0: {  	(pc) =	sbr.rel $0x88, $3  }
0x1: {  	(tag) =	ssettag $0x0;
	lr =	simm.s32 $0x1  }
0x2: {  	[smem:$0x3F9F] =	sst lr;
	_ =	strace $0xD0000000  }
0x3: {  	_ = 	snop  }
0x4: {  	_ = 	snop  }
0x5: {  	_ = 	snop  }
0x6: {  	_ = 	snop  }
0x7: {  	_ = 	snop  }
__scs_overlays_trampoline_lowered:
0x8: {  	[smem:$0x3FAE] =	sst s0  }
0x9: {  	[smem:$0x3FAF] =	sst s1  }
0xa: {  	[smem:$0x3FB0] =	sst s2  }
0xb: {  	[smem:$0x3FB1] =	sst s3  }
0xc: {  	[smem:$0x3FB2] =	sst s4  }
0xd: {  	[smem:$0x3FB3] =	sst s5  }
0xe: {  	[smem:$0x3FB4] =	sst s6  }
0xf: {  	[smem:$0x3FB5] =	sst s7  }
0x10: {  	[smem:$0x3FB6] =	sst s8  }
0x11: {  	[smem:$0x3FB7] =	sst s9;
	s0 =	simm.s32 @!p0 $0x0  }
0x12: {  	s1 =	sld [smem:$0x3F9D];
	s0 =	simm.s32 @p0 $0x1  }
0x13: {  	[smem:$0x3FB8] =	sst s0;
	s0 =	simm.s32 @!p1 $0x0  }
0x14: {  	s2 =	sld [smem:$0x3F9C];
	s0 =	simm.s32 @p1 $0x1  }
0x15: {  	[smem:$0x3FB9] =	sst s0;
	s0 =	simm.s32 @!p2 $0x0  }
0x16: {  	s3 =	sld [smem:$0x3FDB];
	s0 =	simm.s32 @p2 $0x1  }
0x17: {  	s4 =	simm.s32 $0x1BF5;
	[smem:$0x3FBB] =	sst s0  }
0x18: {  	s0 =	sld [smem:$0x3F9E];
	_ =	swait.ge [sflag:s4], $0x0  }
0x19: {  	s7 =	sld [smem:$0x3F9F]  }
0x1a: {  	s8 =	sadd.s32 $0xFFFFE003, lr  }
0x1b: {  	s9 =	sadd.s32 $0xFFFFFEF7, lr;
	s5 =	simm.s32 $0xFFFFFFFF;
	p2 =	slt.u32 s8, $0xFFFFF086  }
0x1c: {  	p1 =	slt.u32 s9, $0xF7A;
	s5 =	simm.s32 @!p2 $0x0  }
0x1d: {  	s5 =	simm.s32 @p1 $0x1;
	p0 =	seq.s32 s7, s2  }
0x1e: {  	s7 =	smul.u32 @!p0 $0xF7A, s2;
	p2 =	seq.s32 @!p0 s5, $0x0  }
0x1f: {  	s9 =	smul.u32 $0xF7A, s1;
	s8 =	simm.s32 @!p0 $0x1BF5;
	p2 =	por !p2, p0  }
0x20: {  	[sflag:s8] =	ssyncset.s32 @!p0 $0xFFFFF086;
	s6 =	sadd.s32 @!p0 s3, s7;
	s7 =	simm.s32 @!p0 $0x108  }
0x21: {  	s3 =	sadd.s32 s3, s9;
	s6 =	sadd.s32 @!p0 $0x88, s6;
	s7 =	simm.s32 @p2 $0x1082  }
0x22: {  	[simem:s7], [sflag:s8] =	dma.local @!p0 [hbm:s6], $0xF7A  }
0x23: {  	s9 =	sor.u32 $0xD0000000, s2;
	s6 =	simm.s32 $0x108;
	_ =	swait.ge @!p0 [sflag:s8], $0x0  }
0x24: {  	s3 =	sadd.s32 $0x88, s3;
	s6 =	simm.s32 @!p1 $0x1082;
	[sflag:s4] =	ssyncset.s32 $0xFFFFF086  }
0x25: {  	[simem:s6], [sflag:s4] =	dma.local [hbm:s3], $0xF7A  }
0x26: {  	[smem:$0x3F9F] =	sst s1;
	(tag) =	ssettag s2;
	_ =	strace s9  }
0x27: {  	s1 =	sld [smem:$0x3FAF]  }
0x28: {  	s2 =	sld [smem:$0x3FB0]  }
0x29: {  	s4 =	sld [smem:$0x3FB2]  }
0x2a: {  	p0 =	seq.s32 s5, $0x0;
	s5 =	sld [smem:$0x3FB3]  }
0x2b: {  	s6 =	sld [smem:$0x3FB4]  }
0x2c: {  	s7 =	sld [smem:$0x3FB5]  }
0x2d: {  	s3 =	simm.s32 $0x108;
	s8 =	sld [smem:$0x3FB6]  }
0x2e: {  	s3 =	simm.s32 @!p0 $0x1082;
	s9 =	sld [smem:$0x3FB7]  }
0x2f: {  	lr =	sadd.s32 s0, s3;
	s0 =	sld [smem:$0x3FAE]  }
0x30: {  	s3 =	sld [smem:$0x3FB1]  }
0x31: {  	[smem:$0x3FBA] =	sst s10  }
0x32: {  	s10 =	sld [smem:$0x3FB8];
	_ =	sdelay $0x3  }
0x33: {  	p0 =	seq.s32 s10, $0x1;
	s10 =	sld [smem:$0x3FBA];
	_ =	sdelay $0x3  }
0x34: {  	[smem:$0x3FBA] =	sst s10  }
0x35: {  	s10 =	sld [smem:$0x3FB9];
	_ =	sdelay $0x3  }
0x36: {  	p1 =	seq.s32 s10, $0x1;
	s10 =	sld [smem:$0x3FBA];
	_ =	sdelay $0x3  }
0x37: {  	[smem:$0x3FBA] =	sst s10  }
0x38: {  	s10 =	sld [smem:$0x3FBB]  }
0x39: {  	_ = 	snop;
	(pc) =	sbr.ind lr, $3  }
0x3a: {  	_ = 	snop  }
0x3b: {  	_ = 	snop  }
0x3c: {  	p2 =	seq.s32 s10, $0x1;
	s10 =	sld [smem:$0x3FBA]  }
0x3d: {  	_ =	shalt  }
0x3e: {  	_ =	shalt  }
0x3f: {  	_ =	shalt  }
0x40: {  	_ =	shalt  }
0x41: {  	_ =	shalt  }
0x42: {  	_ =	shalt  }
0x43: {  	_ =	shalt  }
0x44: {  	_ =	shalt  }
0x45: {  	_ =	shalt  }
0x46: {  	_ =	shalt  }
0x47: {  	_ =	shalt  }
0x48: {  	_ =	shalt  }
0x49: {  	_ =	shalt  }
0x4a: {  	_ =	shalt  }
0x4b: {  	_ =	shalt  }
0x4c: {  	_ =	shalt  }
0x4d: {  	_ =	shalt  }
0x4e: {  	_ =	shalt  }
0x4f: {  	_ =	shalt  }
0x50: {  	_ =	shalt  }
0x51: {  	_ =	shalt  }
0x52: {  	_ =	shalt  }
0x53: {  	_ =	shalt  }
0x54: {  	_ =	shalt  }
0x55: {  	_ =	shalt  }
0x56: {  	_ =	shalt  }
0x57: {  	_ =	shalt  }
0x58: {  	_ =	shalt  }
0x59: {  	_ =	shalt  }
0x5a: {  	_ =	shalt  }
0x5b: {  	_ =	shalt  }
0x5c: {  	_ =	shalt  }
0x5d: {  	_ =	shalt  }
0x5e: {  	_ =	shalt  }
0x5f: {  	_ =	shalt  }
0x60: {  	_ =	shalt  }
0x61: {  	_ =	shalt  }
0x62: {  	_ =	shalt  }
0x63: {  	_ =	shalt  }
0x64: {  	_ =	shalt  }
0x65: {  	_ =	shalt  }
0x66: {  	_ =	shalt  }
0x67: {  	_ =	shalt  }
0x68: {  	_ =	shalt  }
0x69: {  	_ =	shalt  }
0x6a: {  	_ =	shalt  }
0x6b: {  	_ =	shalt  }
0x6c: {  	_ =	shalt  }
0x6d: {  	_ =	shalt  }
0x6e: {  	_ =	shalt  }
0x6f: {  	_ =	shalt  }
0x70: {  	_ =	shalt  }
0x71: {  	_ =	shalt  }
0x72: {  	_ =	shalt  }
0x73: {  	_ =	shalt  }
0x74: {  	_ =	shalt  }
0x75: {  	_ =	shalt  }
0x76: {  	_ =	shalt  }
0x77: {  	_ =	shalt  }
0x78: {  	_ =	shalt  }
0x79: {  	_ =	shalt  }
0x7a: {  	_ =	shalt  }
0x7b: {  	_ =	shalt  }
0x7c: {  	_ =	shalt  }
0x7d: {  	_ =	shalt  }
0x7e: {  	_ =	shalt  }
0x7f: {  	_ =	shalt  }
0x80: {  	_ =	shalt  }
0x81: {  	_ =	shalt  }
0x82: {  	_ =	shalt  }
0x83: {  	_ =	shalt  }
0x84: {  	_ =	shalt  }
0x85: {  	_ =	shalt  }
0x86: {  	_ =	shalt  }
0x87: {  	_ =	shalt  }
.Lfunc_end0:
.L_simem_size_0:
called_computation_lowered:
.L_overlay_start_0:
0x88: {  	s2 =	sld [smem:$0x3FD9]  }
0x89: {  	s3 =	sld [smem:$0x3FFE];
	_ =	sdelay $0x1  }
0x8a: {  	s1 =	srdreg.scid  }
0x8b: {  	s0 =	sand.u32 $0x1, s1  }
0x8c: {  	s17 =	sshll.u32 s0, $0xA;
	s2 =	sadd.s32 s3, s2  }
0x8d: {  	s2 =	sadd.s32 s2, s17  }
0x8e: {  	[smem:$0x3FC6] =	sst s2  }
0x8f: {  	_ = 	snop  }
0x90: {  	s2 =	sld [smem:$0x3FD0];
	(tm) =	ssettm $0x1  }
0x91: {  	s18 =	sld [smem:$0x3FFB];
	_ =	sdelay $0x3  }
0x92: {  	_ =	strace s18  }
0x93: {  	s3 =	sld [smem:$0x3FFC];
	_ =	sdelay $0x3  }
0x94: {  	_ =	strace s3  }
0x95: {  	s3 =	sld [smem:$0x3FFD];
	_ =	sdelay $0x3  }
0x96: {  	_ =	strace s3  }
0x97: {  	_ =	strace $0x8FFFFFFF  }
0x98: {  	s19 =	sld [smem:$0x3FDB];
	_ =	sdelay $0x1  }
0x99: {  	s4 =	simm.s32 $_scs_section_size  }
0x9a: {  	s5 =	simm.s32 $_size__tile_overlayer_lowered;
	s6 =	simm.s32 $_tile_overlayer_lowered  }
0x9b: {  	s22 =	simm.s32 $0x1BFF;
	s21 =	sshll.u32 s6, $0x1;
	s3 =	sadd.s32 s4, s19  }
0x9c: {  	s7 =	simm.s32 $0x0;
	s20 =	sshll.u32 s5, $0x1;
	s5 =	sadd.s32 s21, s3  }
0x9d: {  	[timem:s7], [sflag:s22] =	dma.local [hbm:s5], s20  }
0x9e: {  	_ =	swait.ge [sflag:s22], s20  }
0x9f: {  	s4 =	ssub.s32 $0x0, s20;
	[sflag:s22] =	ssyncset.done $0x0  }
0xa0: {  	[sflag:s22] =	ssyncadd.s32 s4;
	_ =	sdelay $0x1  }
0xa1: {  	s23 =	simm.s32 $0x1B8B  }
0xa2: {  	_ =	swait.ge [sflag:s23], $0x1  }
0xa3: {  	[sflag:s23] =	ssyncset.done $0x0  }
0xa4: {  	s25 =	simm.s32 $0x1B8E;
	s24 =	sld [smem:$0x3FFE];
	[sflag:s23] =	ssyncadd.s32 $0xFFFFFFFF  }
0xa5: {  	s26 =	simm.s32 $execute0_lowered;
	[smem:$0x3FD2] =	sst s25  }
0xa6: {  	s5 =	sshll.u32 s26, $0x1;
	_ =	strace $0x80000046;
	[dreg:$0x1] =	wrdreg $0xFFFFFFFF  }
0xa7: {  	s28 =	simm.s32 $_size_execute0_lowered;
	s3 =	sadd.s32 s3, s5;
	[dreg:$0x0] =	wrdreg $0x0  }
0xa8: {  	s5 =	sshll.u32 s28, $0x1;
	[dreg:$0x2] =	wrdreg s3  }
0xa9: {  	[dreg:$0x3] =	wrdreg s5  }
0xaa: {  	[dreg:$0x4] =	wrdreg $0xC0  }
0xab: {  	_ =	task [dreg:s7], $0x5FFFF  }
0xac: {  	[dreg:$0x1] =	wrdreg $0xFFFFFFFF  }
0xad: {  	[dreg:$0x0] =	wrdreg $0x60  }
0xae: {  	[dreg:$0x2] =	wrdreg s24  }
0xaf: {  	[dreg:$0x3] =	wrdreg s2  }
0xb0: {  	[dreg:$0x4] =	wrdreg $0x9  }
0xb1: {  	_ =	task.clear_ibuf [dreg:s7], $0x5FFFF;
	_ =	strace $0x90000046  }
0xb2: {  	s29 =	simm.s32 $0x9;
	_ =	strace $0x80000048  }
0xb3: {  	_ =	swait.ge [sflag:s29], $0x1  }
0xb4: {  	[sflag:s29] =	ssyncadd.s32 $0xFFFFFFFF  }
0xb5: {  	_ =	strace $0x90000048  }
0xb6: {  	_ =	sfence  }
0xb7: {  	s30 =	sld [smem:$0x0];
	_ =	sdelay $0x2  }
0xb8: {  	s31 =	sshll.u32 s1, $0xD;
	s1 =	sshrl.u32 s1, $0x2  }
0xb9: {  	s3 =	sand.u32 $0x4000, s31;
	s1 =	sadd.s32 s1, s30  }
0xba: {  	s0 =	sor.u32 s3, s0;
	s1 =	sshll.u32 s1, $0x11  }
0xbb: {  	s0 =	sor.u32 s1, s0  }
0xbc: {  	s0 =	sadd.s32 $0x8F2B, s0  }
0xbd: {  	[sflag:s0] =	ssyncadd.remote.s32 $0x1  }
0xbe: {  	_ =	sfence.sel $0xFFFF  }
0xbf: {  	[dreg:$0x0] =	wrdreg $0xFFFFFFFF;
	(pc) =	sbr.abs _section_cstart, $3  }
0xc0: {  	[dreg:$0x1] =	wrdreg $0xFFFFFFFF  }
0xc1: {  	_ =	task.clear_ibuf [dreg:s7], $0x2FFFF;
	_ =	strace $0x9FFFFFFF  }
0xc2: {  	(tm) =	ssettm $0x7FFFFFFF  }
0xc3: {  	_ =	shalt  }
tec
execute0_lowered:
.L_overlay_start_1:
0x0: {  	(tag) =	ssettag $0x1  }
0x1: {  	s1 =	rddreg [dreg:$0x0];
	s3 =	srdreg.scid  }
0x2: {  	s0 =	stileid.u32;
	s2 =	rddreg [dreg:$0x1];
	s28 =	simm.s32 $0x0  }
0x3: {  	s9 =	simm.s32 $0x5;
	s10 =	simm.s32 $0x80;
	s11 =	simm.s32 $0x6400  }
0x4: {  	s12 =	simm.s32 $0x8400;
	s13 =	simm.s32 $0x1;
	s14 =	simm.s32 $0x400  }
0x5: {  	s15 =	simm.s32 $0x8000;
	s4 =	sand.u32 $0x1, s3;
	s5 =	sshll.u32 s0, $0x1  }
0x6: {  	s16 =	simm.s32 $0xA400;
	s17 =	simm.s32 $0x2;
	s6 =	sor.u32 s4, s5  }
0x7: {  	v0 =	vlaneseq.u32;
	s18 =	simm.s32 $0xC400;
	s19 =	simm.s32 $0x3;
	s5 =	smul.u32 $0xC80, s6  }
0x8: {  	s20 =	simm.s32 $0x4;
	s21 =	simm.s32 $0x0;
	v0 =	vmul.u32 $0x40, v0;
	s7 =	ssub.s32 $0x2, s4  }
0x9: {  	[smem:$0x7FF] =	sst s28;
	s29 =	sshrl.u32 s7, $0x1;
	s5 =	sadd.s32 s5, s1  }
0xa: {  	s4 =	sadd.s32 $0x19800, s1;
	v1 =	vor.u32 $0x400, v0;
	s1 =	ssub.s32 s7, s29;
	s30 =	sadd.s32 $0x800, s5  }
0xb: {  	_ =	strace $0x80000047;
	v2 =	vor.u32 $0x800, v0;
	v3 =	vor.u32 $0xC00, v0;
	v4 =	vor.u32 $0x1000, v0;
	s31 =	smax.u32 s1, $0x1;
	[dreg:$0x3] =	wrdreg s30  }
0xc: {  	s6 =	sshll.u32 s6, $0x7;
	v5 =	vor.u32 $0x1400, v0;
	v6 =	vor.u32 $0x1800, v0;
	v7 =	vor.u32 $0x1C00, v0;
	s7 =	sadd.s32 $0x8000, s2;
	[dreg:$0x4] =	wrdreg s31  }
.LBB2_1:
0xd: {  	s0 =	simm.s32 $0x0;
	s1 =	rddreg [dreg:$0x3]  }
0xe: {  	[tilespmem:s0], [sflag:$0x5] =	stream.linear.gather [hbm4b:s1+s0], $0x6400, $0x38;
	[tilespmem:$0xE400] =	vst v63  }
0xf: {  	_ =	swait.ge [sflag:s9], $0x6400  }
0x10: {  	[sflag:s9] =	ssyncset.done $0x0  }
0x11: {  	[sflag:s9] =	ssyncadd.s32 $0xFFFF9C00  }
0x12: {  	[tilespmem:s11], [sflag:$0x1] =	stream.indirect.gather [hbm4b:s4+s10], $0x40, s0, s10, $0xb8;
	[tilespmem:$0xE400] =	vst v63  }
0x13: {  	s22 =	simm.s32 $0x0  }
0x14: {  	[tilespmem:s12], [sflag:$0x2] =	stream.indirect.gather [hbm4b:s4+s10], $0x40, s10, s10, $0xb8;
	[tilespmem:$0xE400] =	vst v63  }
.LBB2_2:
0x15: {  	s1 =	simm.s32 $0x1  }
0x16: {  	v8 =	vmov s1  }
0x17: {  	v8 =	vand.u32 $0x3D, v8  }
0x18: {  	v10 =	vbroadcast v8, $0x0  }
0x19: {  	_ =	swait.ge [sflag:s13], $0x2000  }
0x1a: {  	p0 =	seq.s32 s22, $0x0;
	[sflag:s13] =	ssyncset.done $0x0;
	v8 =	vor.u32 v0, v10  }
0x1b: {  	s23 =	simm.s32 $0x3;
	s1 =	simm.s32 @!p0 $0x3;
	[sflag:s13] =	ssyncadd.s32 $0xFFFFE000;
	v9 =	vor.u32 v1, v10  }
0x1c: {  	v12 =	vmov s23;
	_ =	swait.ge @!p0 [sflag:s1], $0x2000;
	v11 =	vor.u32 v2, v10  }
0x1d: {  	v12 =	vand.u32 $0x3F, v12;
	[sflag:s1] =	ssyncset.done @!p0 $0x0;
	v13 =	vor.u32 v3, v10  }
0x1e: {  	v12 =	vbroadcast v12, $0x0;
	[sflag:s1] =	ssyncadd.s32 @!p0 $0xFFFFE000;
	v14 =	vor.u32 v4, v10  }
0x1f: {  	v15 =	vld.idx.msk [tilespmem:v8+s11+$0x0], $0xffff;
	v8 =	vor.u32 v5, v10  }
0x20: {  	v16 =	vld.idx.msk [tilespmem:v9+s11+$0x0], $0xffff;
	v9 =	vor.u32 v0, v12  }
0x21: {  	v17 =	vld.idx.msk [tilespmem:v11+s11+$0x0], $0xffff;
	v11 =	vor.u32 v7, v12  }
0x22: {  	v18 =	vld.idx.msk [tilespmem:v13+s11+$0x0], $0xffff;
	v13 =	vor.u32 v1, v12  }
0x23: {  	v23 =	vor.u32 v4, v12;
	v14 =	vld.idx.msk [tilespmem:v14+s11+$0x0], $0xffff  }
0x24: {  	v19 =	vor.u32 v2, v12;
	v20 =	vld.idx.msk [tilespmem:v8+s11+$0x0], $0xffff  }
0x25: {  	s25 =	simm.s32 $0x2;
	v21 =	vor.u32 v3, v12;
	v22 =	vld.idx.msk [tilespmem:v9+s11+$0x0], $0xffff  }
0x26: {  	v24 =	vor.u32 v5, v12;
	v8 =	vmov s25;
	v25 =	vld.idx.msk [tilespmem:v11+s11+$0x0], $0xffff  }
0x27: {  	s25 =	simm.s32 $0x0;
	v9 =	vand.u32 $0x3E, v8;
	v8 =	vld.idx.msk [tilespmem:v13+s11+$0x0], $0xffff;
	v13 =	vor.u32 v6, v12  }
0x28: {  	v26 =	vor.u32 v6, v10;
	v11 =	vld.idx.msk [tilespmem:v23+s11+$0x0], $0xffff;
	s26 =	sand.u32 $0x7000, s25;
	v27 =	vbroadcast v9, $0x0  }
0x29: {  	s23 =	simm.s32 $0x180;
	v9 =	vld.idx.msk [tilespmem:v19+s11+$0x0], $0xffff;
	v19 =	vor.u32 v7, v10;
	s1 =	sshrl.u32 s26, $0x2  }
0x2a: {  	s24 =	sand.u32 $0x380, s23;
	v10 =	vld.idx.msk [tilespmem:v21+s11+$0x0], $0xffff;
	s1 =	sadd.s32 $0xA400, s1;
	v21 =	vor.u32 v0, v27  }
0x2b: {  	v12 =	vld.idx.msk [tilespmem:v24+s11+$0x0], $0xffff;
	s26 =	simm.s32 $0x80;
	v23 =	vor.u32 v1, v27;
	s29 =	sor.u32 s24, s1  }
0x2c: {  	s0 =	sand.u32 $0x280, s26;
	v24 =	vor.u32 v2, v27;
	v13 =	vld.idx.msk [tilespmem:v13+s11+$0x0], $0xffff;
	[tilespmem:s29+$0x70] =	vst v25  }
0x2d: {  	s24 =	sor.u32 s0, s1;
	v25 =	vld.idx.msk [tilespmem:v26+s11+$0x0], $0xffff;
	v26 =	vor.u32 v3, v27;
	[tilespmem:s29+$0x0] =	vst v22  }
0x2e: {  	v28 =	vmov s25;
	v22 =	vor.u32 v4, v27;
	v19 =	vld.idx.msk [tilespmem:v19+s11+$0x0], $0xffff;
	[tilespmem:s24+$0x0] =	vst v15  }
0x2f: {  	v28 =	vand.u32 $0x3C, v28;
	[tilespmem:s24+$0x10] =	vst v16;
	v15 =	vld.idx.msk [tilespmem:v21+s11+$0x0], $0xffff;
	v21 =	vor.u32 v5, v27  }
0x30: {  	v28 =	vbroadcast v28, $0x0;
	[tilespmem:s24+$0x20] =	vst v17;
	v16 =	vld.idx.msk [tilespmem:v23+s11+$0x0], $0xffff;
	v23 =	vor.u32 v6, v27  }
0x31: {  	[tilespmem:s24+$0x30] =	vst v18;
	v17 =	vld.idx.msk [tilespmem:v24+s11+$0x0], $0xffff;
	v24 =	vor.u32 v7, v27  }
0x32: {  	v18 =	vor.u32 v0, v28;
	[tilespmem:s24+$0x40] =	vst v14;
	v26 =	vld.idx.msk [tilespmem:v26+s11+$0x0], $0xffff  }
0x33: {  	s3 =	simm.s32 $0x100;
	v14 =	vor.u32 v1, v28;
	[tilespmem:s24+$0x50] =	vst v20;
	v22 =	vld.idx.msk [tilespmem:v22+s11+$0x0], $0xffff  }
0x34: {  	s26 =	sand.u32 $0x300, s3;
	v27 =	vor.u32 v2, v28;
	[tilespmem:s24+$0x60] =	vst v25;
	v20 =	vld.idx.msk [tilespmem:v21+s11+$0x0], $0xffff  }
0x35: {  	s5 =	simm.s32 $0x5;
	s31 =	sor.u32 s26, s1;
	v25 =	vor.u32 v3, v28;
	[tilespmem:s24+$0x70] =	vst v19;
	v29 =	vld.idx.msk [tilespmem:v23+s11+$0x0], $0xffff  }
0x36: {  	v30 =	vor.u32 v4, v28;
	v21 =	vld.idx.msk [tilespmem:v24+s11+$0x0], $0xffff;
	[tilespmem:s31+$0x0] =	vst v15;
	v15 =	vmov s5  }
0x37: {  	v31 =	vor.u32 v5, v28;
	v18 =	vld.idx.msk [tilespmem:v18+s11+$0x0], $0xffff;
	[tilespmem:s31+$0x10] =	vst v16;
	v15 =	vand.u32 $0x3D, v15  }
0x38: {  	v19 =	vld.idx.msk [tilespmem:v14+s11+$0x0], $0xffff;
	[tilespmem:s31+$0x20] =	vst v17;
	v23 =	vor.u32 v6, v28;
	v14 =	vbroadcast v15, $0x0  }
0x39: {  	v16 =	vld.idx.msk [tilespmem:v27+s11+$0x0], $0xffff;
	v24 =	vor.u32 v7, v28;
	[tilespmem:s31+$0x30] =	vst v26  }
0x3a: {  	s8 =	simm.s32 $0x0;
	v17 =	vld.idx.msk [tilespmem:v25+s11+$0x0], $0xffff;
	[tilespmem:s31+$0x40] =	vst v22;
	v22 =	vor.u32 v0, v14  }
0x3b: {  	s30 =	simm.s32 $0x7;
	s28 =	sand.u32 $0x200, s8;
	s26 =	simm.s32 $0x4;
	v15 =	vld.idx.msk [tilespmem:v30+s11+$0x0], $0xffff;
	v26 =	vor.u32 v1, v14;
	[tilespmem:s31+$0x50] =	vst v20  }
0x3c: {  	s28 =	sor.u32 s28, s1;
	s24 =	sshll.u32 s22, $0x1;
	v27 =	vmov s30;
	s30 =	simm.s32 $0x8;
	v25 =	vor.u32 v2, v14;
	v20 =	vld.idx.msk [tilespmem:v31+s11+$0x0], $0xffff;
	[tilespmem:s31+$0x60] =	vst v29  }
.LBB2_3:
0x3d: {  	p1 =	slt.u32 s30, $0x3C;
	v28 =	vor.u32 v3, v14;
	v27 =	vand.u32 $0x3F, v27;
	v23 =	vld.idx.msk [tilespmem:v23+s11+$0x0], $0xffff;
	[tilespmem:s31+$0x70] =	vst v21  }
0x3e: {  	v21 =	vor.u32 v4, v14;
	v27 =	vbroadcast v27, $0x0;
	v24 =	vld.idx.msk [tilespmem:v24+s11+$0x0], $0xffff;
	[tilespmem:s29+$0x10] =	vst v8  }
0x3f: {  	v8 =	vor.u32 v5, v14;
	v22 =	vld.idx.msk [tilespmem:v22+s11+$0x0], $0xffff;
	[tilespmem:s29+$0x20] =	vst v9  }
0x40: {  	v26 =	vld.idx.msk [tilespmem:v26+s11+$0x0], $0xffff;
	v9 =	vor.u32 v0, v27;
	[tilespmem:s29+$0x30] =	vst v10  }
0x41: {  	v10 =	vor.u32 v7, v27;
	v25 =	vld.idx.msk [tilespmem:v25+s11+$0x0], $0xffff;
	[tilespmem:s29+$0x40] =	vst v11  }
0x42: {  	v11 =	vor.u32 v1, v27;
	v28 =	vld.idx.msk [tilespmem:v28+s11+$0x0], $0xffff;
	[tilespmem:s29+$0x50] =	vst v12  }
0x43: {  	v12 =	vor.u32 v2, v27;
	v21 =	vld.idx.msk [tilespmem:v21+s11+$0x0], $0xffff;
	[tilespmem:s29+$0x60] =	vst v13  }
0x44: {  	v13 =	vor.u32 v3, v27;
	v29 =	vld.idx.msk [tilespmem:v8+s11+$0x0], $0xffff;
	[tilespmem:s28+$0x0] =	vst v18  }
0x45: {  	s1 =	sadd.s32 $0x2, s26;
	v30 =	vor.u32 v4, v27;
	v18 =	vld.idx.msk [tilespmem:v9+s11+$0x0], $0xffff;
	[tilespmem:s28+$0x10] =	vst v19  }
0x46: {  	v8 =	vmov s1;
	v19 =	vor.u32 v5, v27;
	v31 =	vld.idx.msk [tilespmem:v10+s11+$0x0], $0xffff;
	[tilespmem:s28+$0x20] =	vst v16  }
0x47: {  	s25 =	sadd.s32 $0x800, s25;
	v9 =	vand.u32 $0x3E, v8;
	v16 =	vor.u32 v6, v27;
	v8 =	vld.idx.msk [tilespmem:v11+s11+$0x0], $0xffff;
	[tilespmem:s28+$0x30] =	vst v17  }
0x48: {  	s1 =	sand.u32 $0x7000, s25;
	v27 =	vbroadcast v9, $0x0;
	v17 =	vor.u32 v6, v14;
	v9 =	vld.idx.msk [tilespmem:v12+s11+$0x0], $0xffff;
	[tilespmem:s28+$0x40] =	vst v15  }
0x49: {  	s23 =	sadd.s32 $0x200, s23;
	s1 =	sshrl.u32 s1, $0x2;
	v14 =	vor.u32 v7, v14;
	v10 =	vld.idx.msk [tilespmem:v13+s11+$0x0], $0xffff;
	[tilespmem:s28+$0x50] =	vst v20  }
0x4a: {  	s31 =	sadd.s32 $0xFFFFFE80, s23;
	s29 =	sand.u32 $0x380, s23;
	s1 =	sadd.s32 $0xA400, s1;
	v15 =	vor.u32 v0, v27;
	v11 =	vld.idx.msk [tilespmem:v30+s11+$0x0], $0xffff;
	[tilespmem:s28+$0x60] =	vst v23  }
0x4b: {  	s0 =	sadd.s32 $0xFFFFFF00, s23;
	s3 =	sadd.s32 $0xFFFFFF80, s23;
	s29 =	sor.u32 s29, s1;
	v20 =	vor.u32 v1, v27;
	v12 =	vld.idx.msk [tilespmem:v19+s11+$0x0], $0xffff;
	[tilespmem:s28+$0x70] =	vst v24  }
0x4c: {  	s0 =	sand.u32 $0x280, s0;
	s3 =	sand.u32 $0x300, s3;
	s28 =	sand.u32 $0x200, s31;
	v19 =	vor.u32 v2, v27;
	v13 =	vld.idx.msk [tilespmem:v16+s11+$0x0], $0xffff;
	[tilespmem:s29+$0x70] =	vst v31  }
0x4d: {  	s0 =	sor.u32 s0, s1;
	s31 =	sor.u32 s3, s1;
	s28 =	sor.u32 s28, s1;
	v16 =	vld.idx.msk [tilespmem:v17+s11+$0x0], $0xffff;
	v17 =	vor.u32 v3, v27;
	[tilespmem:s29+$0x0] =	vst v18  }
0x4e: {  	v18 =	vmov s26;
	s26 =	smov.u32 s30;
	v14 =	vld.idx.msk [tilespmem:v14+s11+$0x0], $0xffff;
	[tilespmem:s0+$0x0] =	vst v22;
	v22 =	vor.u32 v4, v27  }
0x4f: {  	v23 =	vor.u32 v5, v27;
	v18 =	vand.u32 $0x3C, v18;
	[tilespmem:s0+$0x10] =	vst v26;
	v15 =	vld.idx.msk [tilespmem:v15+s11+$0x0], $0xffff  }
0x50: {  	v24 =	vbroadcast v18, $0x0;
	v18 =	vor.u32 v6, v27;
	[tilespmem:s0+$0x20] =	vst v25;
	v20 =	vld.idx.msk [tilespmem:v20+s11+$0x0], $0xffff  }
0x51: {  	[tilespmem:s0+$0x30] =	vst v28;
	v25 =	vld.idx.msk [tilespmem:v19+s11+$0x0], $0xffff;
	v19 =	vor.u32 v7, v27  }
0x52: {  	v26 =	vor.u32 v0, v24;
	[tilespmem:s0+$0x40] =	vst v21;
	v17 =	vld.idx.msk [tilespmem:v17+s11+$0x0], $0xffff  }
0x53: {  	v27 =	vor.u32 v1, v24;
	[tilespmem:s0+$0x50] =	vst v29;
	v28 =	vld.idx.msk [tilespmem:v22+s11+$0x0], $0xffff  }
0x54: {  	v22 =	vor.u32 v2, v24;
	[tilespmem:s0+$0x60] =	vst v16;
	v29 =	vld.idx.msk [tilespmem:v23+s11+$0x0], $0xffff  }
0x55: {  	s1 =	sadd.s32 $0x1, s30;
	v30 =	vor.u32 v3, v24;
	[tilespmem:s0+$0x70] =	vst v14;
	v31 =	vld.idx.msk [tilespmem:v18+s11+$0x0], $0xffff  }
0x56: {  	v32 =	vor.u32 v4, v24;
	v14 =	vmov s1;
	v21 =	vld.idx.msk [tilespmem:v19+s11+$0x0], $0xffff;
	[tilespmem:s31+$0x0] =	vst v15  }
0x57: {  	v33 =	vor.u32 v5, v24;
	v14 =	vand.u32 $0x3D, v14;
	v18 =	vld.idx.msk [tilespmem:v26+s11+$0x0], $0xffff;
	[tilespmem:s31+$0x10] =	vst v20  }
.Ltmp0:
0x58: {  	v23 =	vor.u32 v6, v24;
	v14 =	vbroadcast v14, $0x0;
	v19 =	vld.idx.msk [tilespmem:v27+s11+$0x0], $0xffff;
	[tilespmem:s31+$0x20] =	vst v25;
	(pc) =	sbr.rel @p1 .LBB2_3-.Ltmp0, $4  }
0x59: {  	v24 =	vor.u32 v7, v24;
	v16 =	vld.idx.msk [tilespmem:v22+s11+$0x0], $0xffff;
	[tilespmem:s31+$0x30] =	vst v17  }
0x5a: {  	v22 =	vor.u32 v0, v14;
	v17 =	vld.idx.msk [tilespmem:v30+s11+$0x0], $0xffff;
	[tilespmem:s31+$0x40] =	vst v28  }
0x5b: {  	s0 =	sadd.s32 $0x3, s30;
	v26 =	vor.u32 v1, v14;
	v15 =	vld.idx.msk [tilespmem:v32+s11+$0x0], $0xffff;
	[tilespmem:s31+$0x50] =	vst v29  }
0x5c: {  	s30 =	sadd.s32 $0x4, s30;
	v27 =	vmov s0;
	v25 =	vor.u32 v2, v14;
	v20 =	vld.idx.msk [tilespmem:v33+s11+$0x0], $0xffff;
	[tilespmem:s31+$0x60] =	vst v31  }
0x5d: {  	_ =	sdelay $0x2  }
0x5e: {  	[tilespmem:s31+$0x70] =	vst v21  }
0x5f: {  	v28 =	vor.u32 v3, v14;
	v23 =	vld.idx.msk [tilespmem:v23+s11+$0x0], $0xffff;
	[tilespmem:s29+$0x10] =	vst v8  }
0x60: {  	v21 =	vor.u32 v4, v14;
	v24 =	vld.idx.msk [tilespmem:v24+s11+$0x0], $0xffff;
	[tilespmem:s29+$0x20] =	vst v9  }
0x61: {  	v27 =	vand.u32 $0x3F, v27;
	v8 =	vld.idx.msk [tilespmem:v22+s11+$0x0], $0xffff;
	v22 =	vor.u32 v5, v14;
	[tilespmem:s29+$0x30] =	vst v10  }
0x62: {  	v9 =	vld.idx.msk [tilespmem:v26+s11+$0x0], $0xffff;
	v27 =	vbroadcast v27, $0x0;
	[tilespmem:s28+$0x30] =	vst v17;
	v17 =	vor.u32 v6, v14  }
0x63: {  	v10 =	vld.idx.msk [tilespmem:v25+s11+$0x0], $0xffff;
	[tilespmem:s29+$0x40] =	vst v11;
	v14 =	vor.u32 v7, v14  }
0x64: {  	[tilespmem:s29+$0x50] =	vst v12;
	v26 =	vor.u32 v0, v27;
	v11 =	vld.idx.msk [tilespmem:v28+s11+$0x0], $0xffff  }
0x65: {  	[tilespmem:s29+$0x60] =	vst v13;
	v25 =	vor.u32 v7, v27;
	v12 =	vld.idx.msk [tilespmem:v21+s11+$0x0], $0xffff  }
0x66: {  	[tilespmem:s28+$0x0] =	vst v18;
	v28 =	vor.u32 v1, v27;
	v13 =	vld.idx.msk [tilespmem:v22+s11+$0x0], $0xffff  }
0x67: {  	s0 =	sadd.s32 $0x2, s26;
	[tilespmem:s28+$0x10] =	vst v19;
	v21 =	vor.u32 v2, v27;
	v17 =	vld.idx.msk [tilespmem:v17+s11+$0x0], $0xffff  }
0x68: {  	s8 =	sadd.s32 $0x800, s25;
	v19 =	vmov s0;
	[tilespmem:s28+$0x20] =	vst v16;
	v22 =	vor.u32 v3, v27;
	v14 =	vld.idx.msk [tilespmem:v14+s11+$0x0], $0xffff  }
0x69: {  	s23 =	sadd.s32 $0x200, s23;
	s0 =	sand.u32 $0x7000, s8;
	v16 =	vand.u32 $0x3E, v19;
	[tilespmem:s28+$0x40] =	vst v15;
	v18 =	vld.idx.msk [tilespmem:v26+s11+$0x0], $0xffff;
	v26 =	vor.u32 v4, v27  }
0x6a: {  	s3 =	sadd.s32 $0xFFFFFF00, s23;
	s0 =	sshrl.u32 s0, $0x2;
	v29 =	vor.u32 v5, v27;
	v16 =	vbroadcast v16, $0x0;
	[tilespmem:s28+$0x50] =	vst v20;
	v25 =	vld.idx.msk [tilespmem:v25+s11+$0x0], $0xffff  }
0x6b: {  	s5 =	sand.u32 $0x280, s3;
	s1 =	sadd.s32 $0xA400, s0;
	[tilespmem:s28+$0x60] =	vst v23;
	v27 =	vor.u32 v6, v27;
	v19 =	vld.idx.msk [tilespmem:v28+s11+$0x0], $0xffff  }
0x6c: {  	s0 =	sor.u32 s5, s1;
	v20 =	vor.u32 v0, v16;
	[tilespmem:s28+$0x70] =	vst v24;
	v21 =	vld.idx.msk [tilespmem:v21+s11+$0x0], $0xffff  }
0x6d: {  	v23 =	vor.u32 v1, v16;
	[tilespmem:s0+$0x0] =	vst v8;
	v15 =	vld.idx.msk [tilespmem:v22+s11+$0x0], $0xffff  }
0x6e: {  	s25 =	sand.u32 $0x380, s23;
	[tilespmem:s0+$0x10] =	vst v9;
	v22 =	vld.idx.msk [tilespmem:v26+s11+$0x0], $0xffff  }
0x6f: {  	s25 =	sor.u32 s25, s1;
	v24 =	vor.u32 v2, v16;
	[tilespmem:s0+$0x20] =	vst v10;
	v26 =	vld.idx.msk [tilespmem:v29+s11+$0x0], $0xffff  }
0x70: {  	v27 =	vld.idx.msk [tilespmem:v27+s11+$0x0], $0xffff;
	[tilespmem:s25+$0x0] =	vst v18;
	v18 =	vor.u32 v4, v16  }
0x71: {  	v8 =	vld.idx.msk [tilespmem:v20+s11+$0x0], $0xffff;
	v20 =	vor.u32 v5, v16;
	[tilespmem:s0+$0x30] =	vst v11  }
0x72: {  	v9 =	vld.idx.msk [tilespmem:v23+s11+$0x0], $0xffff;
	v23 =	vor.u32 v6, v16;
	[tilespmem:s0+$0x40] =	vst v12  }
0x73: {  	[tilespmem:s25+$0x70] =	vst v25;
	v25 =	vor.u32 v3, v16  }
0x74: {  	v10 =	vld.idx.msk [tilespmem:v24+s11+$0x0], $0xffff;
	[tilespmem:s0+$0x50] =	vst v13;
	v16 =	vor.u32 v7, v16  }
0x75: {  	[tilespmem:s0+$0x60] =	vst v17;
	v12 =	vld.idx.msk [tilespmem:v18+s11+$0x0], $0xffff;
	v18 =	vmov s26  }
0x76: {  	s8 =	sadd.s32 $0xFFFFFF80, s23;
	[tilespmem:s0+$0x70] =	vst v14;
	v13 =	vld.idx.msk [tilespmem:v20+s11+$0x0], $0xffff;
	v18 =	vand.u32 $0x3C, v18  }
0x77: {  	s3 =	sand.u32 $0x300, s8;
	v17 =	vld.idx.msk [tilespmem:v23+s11+$0x0], $0xffff;
	[tilespmem:s25+$0x10] =	vst v19;
	v18 =	vbroadcast v18, $0x0  }
0x78: {  	s3 =	sor.u32 s3, s1;
	[tilespmem:s25+$0x20] =	vst v21;
	v11 =	vld.idx.msk [tilespmem:v25+s11+$0x0], $0xffff  }
0x79: {  	v14 =	vld.idx.msk [tilespmem:v16+s11+$0x0], $0xffff;
	[tilespmem:s3+$0x0] =	vst v8;
	v8 =	vor.u32 v0, v18  }
0x7a: {  	[tilespmem:s3+$0x10] =	vst v9;
	v9 =	vor.u32 v1, v18  }
0x7b: {  	[tilespmem:s3+$0x20] =	vst v10;
	v10 =	vor.u32 v2, v18  }
0x7c: {  	[tilespmem:s3+$0x50] =	vst v13;
	v13 =	vor.u32 v5, v18  }
0x7d: {  	[tilespmem:s25+$0x30] =	vst v15;
	v16 =	vor.u32 v6, v18  }
0x7e: {  	[tilespmem:s3+$0x30] =	vst v11;
	v11 =	vor.u32 v3, v18;
	v8 =	vld.idx.msk [tilespmem:v8+s11+$0x0], $0xffff  }
0x7f: {  	[tilespmem:s3+$0x40] =	vst v12;
	v12 =	vor.u32 v4, v18;
	v9 =	vld.idx.msk [tilespmem:v9+s11+$0x0], $0xffff  }
0x80: {  	[tilespmem:s3+$0x70] =	vst v14;
	v14 =	vor.u32 v7, v18;
	v10 =	vld.idx.msk [tilespmem:v10+s11+$0x0], $0xffff  }
0x81: {  	[tilespmem:s25+$0x40] =	vst v22;
	v13 =	vld.idx.msk [tilespmem:v13+s11+$0x0], $0xffff  }
0x82: {  	[tilespmem:s3+$0x60] =	vst v17;
	s3 =	sadd.s32 $0xFFFFFE80, s23;
	v15 =	vld.idx.msk [tilespmem:v16+s11+$0x0], $0xffff  }
0x83: {  	[tilespmem:s25+$0x50] =	vst v26;
	s0 =	sand.u32 $0x200, s3;
	v11 =	vld.idx.msk [tilespmem:v11+s11+$0x0], $0xffff  }
0x84: {  	[tilespmem:s25+$0x60] =	vst v27;
	s0 =	sor.u32 s0, s1;
	v12 =	vld.idx.msk [tilespmem:v12+s11+$0x0], $0xffff  }
0x85: {  	v14 =	vld.idx.msk [tilespmem:v14+s11+$0x0], $0xffff;
	[tilespmem:s0+$0x0] =	vst v8  }
0x86: {  	[tilespmem:s0+$0x10] =	vst v9  }
0x87: {  	[tilespmem:s0+$0x20] =	vst v10  }
0x88: {  	[tilespmem:s0+$0x50] =	vst v13  }
0x89: {  	[tilespmem:s0+$0x60] =	vst v15  }
0x8a: {  	s5 =	sshll.u32 s22, $0x10;
	[tilespmem:s0+$0x30] =	vst v11  }
0x8b: {  	s25 =	smin.u32 s24, $0xC4;
	s23 =	sor.u32 s6, s5;
	[tilespmem:s0+$0x40] =	vst v12  }
0x8c: {  	s26 =	simm.s32 $0x1;
	s24 =	sshll.u32 s25, $0x7;
	s8 =	sadd.s32 s2, s23;
	[tilespmem:s0+$0x70] =	vst v14  }
0x8d: {  	v8 =	vmov s26;
	[hbm4b:s8+s14] =	stream.strided.scatter [tilespmem:s16], [sflag:$0x3], $0x2000, s15, s14, $0x38;
	[tilespmem:$0xE400] =	vst v63  }
0x8e: {  	s0 =	sadd.s32 $0x100, s24;
	v8 =	vand.u32 $0x3D, v8  }
0x8f: {  	v10 =	vbroadcast v8, $0x0;
	[tilespmem:s11], [sflag:$0x1] =	stream.indirect.gather [hbm4b:s4+s10], $0x40, s0, s10, $0xb8;
	[tilespmem:$0xE400] =	vst v63  }
0x90: {  	_ =	swait.ge [sflag:s17], $0x2000  }
0x91: {  	v8 =	vor.u32 v0, v10;
	[sflag:s17] =	ssyncset.done $0x0  }
0x92: {  	s3 =	simm.s32 $0x3;
	s0 =	simm.s32 @!p0 $0x4;
	v9 =	vor.u32 v1, v10;
	[sflag:s17] =	ssyncadd.s32 $0xFFFFE000  }
0x93: {  	v12 =	vmov s3;
	v11 =	vor.u32 v2, v10;
	_ =	swait.ge @!p0 [sflag:s0], $0x2000  }
0x94: {  	v12 =	vand.u32 $0x3F, v12;
	v13 =	vor.u32 v3, v10;
	[sflag:s0] =	ssyncset.done @!p0 $0x0  }
0x95: {  	v12 =	vbroadcast v12, $0x0;
	v14 =	vor.u32 v4, v10;
	[sflag:s0] =	ssyncadd.s32 @!p0 $0xFFFFE000  }
0x96: {  	v15 =	vld.idx.msk [tilespmem:v8+s12+$0x0], $0xffff;
	v8 =	vor.u32 v5, v10  }
0x97: {  	v16 =	vld.idx.msk [tilespmem:v9+s12+$0x0], $0xffff;
	v9 =	vor.u32 v0, v12  }
0x98: {  	v17 =	vld.idx.msk [tilespmem:v11+s12+$0x0], $0xffff;
	v11 =	vor.u32 v7, v12  }
0x99: {  	v18 =	vld.idx.msk [tilespmem:v13+s12+$0x0], $0xffff;
	v13 =	vor.u32 v1, v12  }
0x9a: {  	v23 =	vor.u32 v4, v12;
	v14 =	vld.idx.msk [tilespmem:v14+s12+$0x0], $0xffff  }
0x9b: {  	v19 =	vor.u32 v2, v12;
	v20 =	vld.idx.msk [tilespmem:v8+s12+$0x0], $0xffff  }
0x9c: {  	s5 =	simm.s32 $0x2;
	v24 =	vor.u32 v5, v12;
	v22 =	vld.idx.msk [tilespmem:v9+s12+$0x0], $0xffff  }
0x9d: {  	v21 =	vor.u32 v3, v12;
	v8 =	vmov s5;
	v25 =	vld.idx.msk [tilespmem:v11+s12+$0x0], $0xffff  }
0x9e: {  	s26 =	simm.s32 $0x0;
	v9 =	vand.u32 $0x3E, v8;
	v8 =	vld.idx.msk [tilespmem:v13+s12+$0x0], $0xffff;
	v13 =	vor.u32 v6, v12  }
0x9f: {  	s8 =	sand.u32 $0x7000, s26;
	v26 =	vor.u32 v6, v10;
	v11 =	vld.idx.msk [tilespmem:v23+s12+$0x0], $0xffff;
	v27 =	vbroadcast v9, $0x0  }
0xa0: {  	s25 =	simm.s32 $0x180;
	s0 =	sshrl.u32 s8, $0x2;
	v9 =	vld.idx.msk [tilespmem:v19+s12+$0x0], $0xffff;
	v19 =	vor.u32 v7, v10  }
0xa1: {  	s1 =	sand.u32 $0x380, s25;
	s29 =	sadd.s32 $0xC400, s0;
	v12 =	vld.idx.msk [tilespmem:v24+s12+$0x0], $0xffff;
	v23 =	vor.u32 v1, v27  }
0xa2: {  	s3 =	simm.s32 $0x80;
	s30 =	sor.u32 s1, s29;
	v10 =	vld.idx.msk [tilespmem:v21+s12+$0x0], $0xffff;
	v21 =	vor.u32 v0, v27  }
0xa3: {  	s5 =	sand.u32 $0x280, s3;
	v24 =	vor.u32 v2, v27;
	v13 =	vld.idx.msk [tilespmem:v13+s12+$0x0], $0xffff;
	[tilespmem:s30+$0x70] =	vst v25  }
0xa4: {  	s0 =	sor.u32 s5, s29;
	v25 =	vld.idx.msk [tilespmem:v26+s12+$0x0], $0xffff;
	v26 =	vor.u32 v3, v27;
	[tilespmem:s30+$0x0] =	vst v22  }
0xa5: {  	v28 =	vmov s26;
	v22 =	vor.u32 v4, v27;
	v19 =	vld.idx.msk [tilespmem:v19+s12+$0x0], $0xffff;
	[tilespmem:s0+$0x0] =	vst v15  }
0xa6: {  	v28 =	vand.u32 $0x3C, v28;
	[tilespmem:s0+$0x10] =	vst v16;
	v16 =	vld.idx.msk [tilespmem:v23+s12+$0x0], $0xffff;
	v23 =	vor.u32 v6, v27  }
0xa7: {  	v28 =	vbroadcast v28, $0x0;
	[tilespmem:s0+$0x20] =	vst v17;
	v15 =	vld.idx.msk [tilespmem:v21+s12+$0x0], $0xffff;
	v21 =	vor.u32 v5, v27  }
0xa8: {  	[tilespmem:s0+$0x30] =	vst v18;
	v17 =	vld.idx.msk [tilespmem:v24+s12+$0x0], $0xffff;
	v24 =	vor.u32 v7, v27  }
0xa9: {  	v18 =	vor.u32 v0, v28;
	[tilespmem:s0+$0x40] =	vst v14;
	v26 =	vld.idx.msk [tilespmem:v26+s12+$0x0], $0xffff  }
0xaa: {  	s8 =	simm.s32 $0x100;
	v14 =	vor.u32 v1, v28;
	[tilespmem:s0+$0x50] =	vst v20;
	v22 =	vld.idx.msk [tilespmem:v22+s12+$0x0], $0xffff  }
0xab: {  	s1 =	sand.u32 $0x300, s8;
	[tilespmem:s0+$0x60] =	vst v25;
	v29 =	vld.idx.msk [tilespmem:v23+s12+$0x0], $0xffff;
	v23 =	vor.u32 v3, v28  }
0xac: {  	s1 =	sor.u32 s1, s29;
	s3 =	simm.s32 $0x5;
	v27 =	vor.u32 v2, v28;
	[tilespmem:s0+$0x70] =	vst v19;
	v20 =	vld.idx.msk [tilespmem:v21+s12+$0x0], $0xffff  }
0xad: {  	v25 =	vor.u32 v4, v28;
	v21 =	vld.idx.msk [tilespmem:v24+s12+$0x0], $0xffff;
	[tilespmem:s1+$0x0] =	vst v15;
	v15 =	vmov s3  }
0xae: {  	v30 =	vor.u32 v5, v28;
	v18 =	vld.idx.msk [tilespmem:v18+s12+$0x0], $0xffff;
	[tilespmem:s1+$0x10] =	vst v16;
	v15 =	vand.u32 $0x3D, v15  }
0xaf: {  	v19 =	vld.idx.msk [tilespmem:v14+s12+$0x0], $0xffff;
	[tilespmem:s1+$0x20] =	vst v17;
	v24 =	vor.u32 v6, v28;
	v14 =	vbroadcast v15, $0x0  }
0xb0: {  	[tilespmem:s1+$0x30] =	vst v26;
	v17 =	vld.idx.msk [tilespmem:v23+s12+$0x0], $0xffff;
	v23 =	vor.u32 v7, v28  }
0xb1: {  	s5 =	simm.s32 $0x0;
	v16 =	vld.idx.msk [tilespmem:v27+s12+$0x0], $0xffff;
	[tilespmem:s1+$0x40] =	vst v22;
	v22 =	vor.u32 v0, v14  }
0xb2: {  	s8 =	simm.s32 $0x7;
	s0 =	sand.u32 $0x200, s5;
	v15 =	vld.idx.msk [tilespmem:v25+s12+$0x0], $0xffff;
	v26 =	vor.u32 v1, v14;
	[tilespmem:s1+$0x50] =	vst v20  }
0xb3: {  	s31 =	simm.s32 $0x8;
	s28 =	simm.s32 $0x4;
	s29 =	sor.u32 s0, s29;
	v27 =	vmov s8;
	v25 =	vor.u32 v2, v14;
	v20 =	vld.idx.msk [tilespmem:v30+s12+$0x0], $0xffff;
	[tilespmem:s1+$0x60] =	vst v29  }
.LBB2_5:
0xb4: {  	p0 =	slt.u32 s31, $0x3C;
	v28 =	vor.u32 v3, v14;
	v27 =	vand.u32 $0x3F, v27;
	v24 =	vld.idx.msk [tilespmem:v24+s12+$0x0], $0xffff;
	[tilespmem:s1+$0x70] =	vst v21  }
0xb5: {  	v21 =	vor.u32 v4, v14;
	v27 =	vbroadcast v27, $0x0;
	v23 =	vld.idx.msk [tilespmem:v23+s12+$0x0], $0xffff;
	[tilespmem:s30+$0x10] =	vst v8  }
0xb6: {  	v8 =	vor.u32 v5, v14;
	v22 =	vld.idx.msk [tilespmem:v22+s12+$0x0], $0xffff;
	[tilespmem:s30+$0x20] =	vst v9  }
0xb7: {  	v26 =	vld.idx.msk [tilespmem:v26+s12+$0x0], $0xffff;
	v9 =	vor.u32 v0, v27;
	[tilespmem:s30+$0x30] =	vst v10  }
0xb8: {  	v10 =	vor.u32 v7, v27;
	v25 =	vld.idx.msk [tilespmem:v25+s12+$0x0], $0xffff;
	[tilespmem:s30+$0x40] =	vst v11  }
0xb9: {  	v11 =	vor.u32 v1, v27;
	v28 =	vld.idx.msk [tilespmem:v28+s12+$0x0], $0xffff;
	[tilespmem:s30+$0x50] =	vst v12  }
0xba: {  	v12 =	vor.u32 v2, v27;
	v21 =	vld.idx.msk [tilespmem:v21+s12+$0x0], $0xffff;
	[tilespmem:s30+$0x60] =	vst v13  }
0xbb: {  	v13 =	vor.u32 v3, v27;
	v29 =	vld.idx.msk [tilespmem:v8+s12+$0x0], $0xffff;
	[tilespmem:s29+$0x0] =	vst v18  }
0xbc: {  	s0 =	sadd.s32 $0x2, s28;
	v30 =	vor.u32 v4, v27;
	v18 =	vld.idx.msk [tilespmem:v9+s12+$0x0], $0xffff;
	[tilespmem:s29+$0x10] =	vst v19  }
0xbd: {  	v8 =	vmov s0;
	v19 =	vor.u32 v5, v27;
	v31 =	vld.idx.msk [tilespmem:v10+s12+$0x0], $0xffff;
	[tilespmem:s29+$0x20] =	vst v16  }
0xbe: {  	s26 =	sadd.s32 $0x800, s26;
	v9 =	vand.u32 $0x3E, v8;
	v16 =	vor.u32 v6, v27;
	v8 =	vld.idx.msk [tilespmem:v11+s12+$0x0], $0xffff;
	[tilespmem:s29+$0x30] =	vst v17  }
0xbf: {  	s0 =	sand.u32 $0x7000, s26;
	v27 =	vbroadcast v9, $0x0;
	v17 =	vor.u32 v6, v14;
	v9 =	vld.idx.msk [tilespmem:v12+s12+$0x0], $0xffff;
	[tilespmem:s29+$0x40] =	vst v15  }
0xc0: {  	s25 =	sadd.s32 $0x200, s25;
	s0 =	sshrl.u32 s0, $0x2;
	v14 =	vor.u32 v7, v14;
	v10 =	vld.idx.msk [tilespmem:v13+s12+$0x0], $0xffff;
	[tilespmem:s29+$0x50] =	vst v20  }
0xc1: {  	s1 =	sadd.s32 $0xFFFFFE80, s25;
	s3 =	sand.u32 $0x380, s25;
	s0 =	sadd.s32 $0xC400, s0;
	v15 =	vor.u32 v0, v27;
	v11 =	vld.idx.msk [tilespmem:v30+s12+$0x0], $0xffff;
	[tilespmem:s29+$0x60] =	vst v24  }
0xc2: {  	s5 =	sadd.s32 $0xFFFFFF00, s25;
	s8 =	sadd.s32 $0xFFFFFF80, s25;
	s30 =	sor.u32 s3, s0;
	v20 =	vor.u32 v1, v27;
	v12 =	vld.idx.msk [tilespmem:v19+s12+$0x0], $0xffff;
	[tilespmem:s29+$0x70] =	vst v23  }
0xc3: {  	s1 =	sand.u32 $0x200, s1;
	s3 =	sand.u32 $0x280, s5;
	s5 =	sand.u32 $0x300, s8;
	v19 =	vor.u32 v2, v27;
	v13 =	vld.idx.msk [tilespmem:v16+s12+$0x0], $0xffff;
	[tilespmem:s30+$0x70] =	vst v31  }
0xc4: {  	s3 =	sor.u32 s3, s0;
	s29 =	sor.u32 s1, s0;
	s1 =	sor.u32 s5, s0;
	v16 =	vld.idx.msk [tilespmem:v17+s12+$0x0], $0xffff;
	v17 =	vor.u32 v3, v27;
	[tilespmem:s30+$0x0] =	vst v18  }
0xc5: {  	v18 =	vmov s28;
	s28 =	smov.u32 s31;
	v14 =	vld.idx.msk [tilespmem:v14+s12+$0x0], $0xffff;
	[tilespmem:s3+$0x0] =	vst v22;
	v22 =	vor.u32 v4, v27  }
0xc6: {  	v23 =	vor.u32 v5, v27;
	v18 =	vand.u32 $0x3C, v18;
	[tilespmem:s3+$0x10] =	vst v26;
	v15 =	vld.idx.msk [tilespmem:v15+s12+$0x0], $0xffff  }
0xc7: {  	v26 =	vbroadcast v18, $0x0;
	v18 =	vor.u32 v6, v27;
	[tilespmem:s3+$0x20] =	vst v25;
	v20 =	vld.idx.msk [tilespmem:v20+s12+$0x0], $0xffff  }
0xc8: {  	[tilespmem:s3+$0x30] =	vst v28;
	v25 =	vld.idx.msk [tilespmem:v19+s12+$0x0], $0xffff;
	v19 =	vor.u32 v7, v27  }
0xc9: {  	v24 =	vor.u32 v0, v26;
	[tilespmem:s3+$0x40] =	vst v21;
	v17 =	vld.idx.msk [tilespmem:v17+s12+$0x0], $0xffff  }
0xca: {  	v27 =	vor.u32 v1, v26;
	[tilespmem:s3+$0x50] =	vst v29;
	v28 =	vld.idx.msk [tilespmem:v22+s12+$0x0], $0xffff  }
0xcb: {  	v22 =	vor.u32 v2, v26;
	[tilespmem:s3+$0x60] =	vst v16;
	v29 =	vld.idx.msk [tilespmem:v23+s12+$0x0], $0xffff  }
0xcc: {  	s0 =	sadd.s32 $0x1, s31;
	v30 =	vor.u32 v3, v26;
	[tilespmem:s3+$0x70] =	vst v14;
	v31 =	vld.idx.msk [tilespmem:v18+s12+$0x0], $0xffff  }
0xcd: {  	v32 =	vor.u32 v4, v26;
	v14 =	vmov s0;
	v21 =	vld.idx.msk [tilespmem:v19+s12+$0x0], $0xffff;
	[tilespmem:s1+$0x0] =	vst v15  }
0xce: {  	v33 =	vor.u32 v5, v26;
	v14 =	vand.u32 $0x3D, v14;
	v18 =	vld.idx.msk [tilespmem:v24+s12+$0x0], $0xffff;
	[tilespmem:s1+$0x10] =	vst v20  }
.Ltmp1:
0xcf: {  	v14 =	vbroadcast v14, $0x0;
	v24 =	vor.u32 v6, v26;
	v19 =	vld.idx.msk [tilespmem:v27+s12+$0x0], $0xffff;
	[tilespmem:s1+$0x20] =	vst v25;
	(pc) =	sbr.rel @p0 .LBB2_5-.Ltmp1, $4  }
0xd0: {  	v23 =	vor.u32 v7, v26;
	v16 =	vld.idx.msk [tilespmem:v22+s12+$0x0], $0xffff;
	[tilespmem:s1+$0x30] =	vst v17  }
0xd1: {  	v22 =	vor.u32 v0, v14;
	v17 =	vld.idx.msk [tilespmem:v30+s12+$0x0], $0xffff;
	[tilespmem:s1+$0x40] =	vst v28  }
0xd2: {  	s0 =	sadd.s32 $0x3, s31;
	v26 =	vor.u32 v1, v14;
	v15 =	vld.idx.msk [tilespmem:v32+s12+$0x0], $0xffff;
	[tilespmem:s1+$0x50] =	vst v29  }
0xd3: {  	s31 =	sadd.s32 $0x4, s31;
	v27 =	vmov s0;
	v25 =	vor.u32 v2, v14;
	v20 =	vld.idx.msk [tilespmem:v33+s12+$0x0], $0xffff;
	[tilespmem:s1+$0x60] =	vst v31  }
0xd4: {  	[tilespmem:s1+$0x70] =	vst v21  }
0xd5: {  	[tilespmem:s30+$0x10] =	vst v8  }
0xd6: {  	[tilespmem:s30+$0x20] =	vst v9  }
0xd7: {  	[tilespmem:s30+$0x30] =	vst v10  }
0xd8: {  	[tilespmem:s30+$0x40] =	vst v11  }
0xd9: {  	[tilespmem:s30+$0x50] =	vst v12  }
0xda: {  	v28 =	vor.u32 v3, v14;
	v24 =	vld.idx.msk [tilespmem:v24+s12+$0x0], $0xffff;
	[tilespmem:s30+$0x60] =	vst v13  }
0xdb: {  	v51 =	vor.u32 v4, v14;
	v23 =	vld.idx.msk [tilespmem:v23+s12+$0x0], $0xffff;
	[tilespmem:s29+$0x0] =	vst v18  }
0xdc: {  	v27 =	vand.u32 $0x3F, v27;
	v8 =	vld.idx.msk [tilespmem:v22+s12+$0x0], $0xffff;
	v52 =	vor.u32 v5, v14;
	[tilespmem:s29+$0x10] =	vst v19  }
0xdd: {  	v53 =	vld.idx.msk [tilespmem:v26+s12+$0x0], $0xffff;
	v36 =	vor.u32 v6, v14;
	v27 =	vbroadcast v27, $0x0;
	[tilespmem:s29+$0x20] =	vst v16  }
0xde: {  	v55 =	vld.idx.msk [tilespmem:v25+s12+$0x0], $0xffff;
	s0 =	sadd.s32 $0x2, s28;
	s8 =	sadd.s32 $0x800, s26;
	v37 =	vor.u32 v7, v14;
	[tilespmem:s29+$0x30] =	vst v17  }
0xdf: {  	s25 =	sadd.s32 $0x200, s25;
	v33 =	vmov s0;
	s0 =	sand.u32 $0x7000, s8;
	v54 =	vor.u32 v0, v27;
	[tilespmem:s29+$0x40] =	vst v15;
	v57 =	vld.idx.msk [tilespmem:v28+s12+$0x0], $0xffff  }
0xe0: {  	s3 =	sadd.s32 $0xFFFFFF00, s25;
	s0 =	sshrl.u32 s0, $0x2;
	v56 =	vor.u32 v7, v27;
	[tilespmem:s29+$0x50] =	vst v20;
	v59 =	vld.idx.msk [tilespmem:v51+s12+$0x0], $0xffff  }
0xe1: {  	s5 =	sand.u32 $0x280, s3;
	v58 =	vor.u32 v1, v27;
	s26 =	sadd.s32 $0xC400, s0;
	v61 =	vld.idx.msk [tilespmem:v52+s12+$0x0], $0xffff;
	[tilespmem:s29+$0x60] =	vst v24  }
0xe2: {  	v60 =	vor.u32 v2, v27;
	s0 =	sor.u32 s5, s26;
	[tilespmem:s29+$0x70] =	vst v23;
	v17 =	vld.idx.msk [tilespmem:v36+s12+$0x0], $0xffff  }
0xe3: {  	v62 =	vor.u32 v3, v27;
	v14 =	vld.idx.msk [tilespmem:v37+s12+$0x0], $0xffff;
	[tilespmem:s0+$0x0] =	vst v8  }
0xe4: {  	v34 =	vand.u32 $0x3E, v33;
	v32 =	vor.u32 v4, v27;
	[tilespmem:s0+$0x10] =	vst v53;
	v63 =	vld.idx.msk [tilespmem:v54+s12+$0x0], $0xffff  }
0xe5: {  	v29 =	vor.u32 v5, v27;
	v16 =	vbroadcast v34, $0x0;
	[tilespmem:s0+$0x20] =	vst v55;
	v25 =	vld.idx.msk [tilespmem:v56+s12+$0x0], $0xffff  }
0xe6: {  	v27 =	vor.u32 v6, v27;
	v35 =	vld.idx.msk [tilespmem:v58+s12+$0x0], $0xffff;
	[tilespmem:s0+$0x30] =	vst v57  }
0xe7: {  	v39 =	vor.u32 v0, v16;
	v21 =	vld.idx.msk [tilespmem:v60+s12+$0x0], $0xffff;
	[tilespmem:s0+$0x40] =	vst v59  }
0xe8: {  	v41 =	vor.u32 v1, v16;
	v38 =	vld.idx.msk [tilespmem:v62+s12+$0x0], $0xffff;
	[tilespmem:s0+$0x50] =	vst v61  }
0xe9: {  	s30 =	sand.u32 $0x380, s25;
	v43 =	vor.u32 v2, v16;
	v40 =	vld.idx.msk [tilespmem:v32+s12+$0x0], $0xffff;
	[tilespmem:s0+$0x60] =	vst v17  }
0xea: {  	s31 =	sor.u32 s30, s26;
	v44 =	vor.u32 v3, v16;
	v42 =	vld.idx.msk [tilespmem:v29+s12+$0x0], $0xffff;
	[tilespmem:s0+$0x70] =	vst v14  }
0xeb: {  	v45 =	vor.u32 v4, v16;
	v52 =	vmov s28;
	v27 =	vld.idx.msk [tilespmem:v27+s12+$0x0], $0xffff;
	[tilespmem:s31+$0x70] =	vst v25  }
0xec: {  	v46 =	vor.u32 v5, v16;
	v18 =	vand.u32 $0x3C, v52;
	v8 =	vld.idx.msk [tilespmem:v39+s12+$0x0], $0xffff;
	[tilespmem:s31+$0x0] =	vst v63  }
0xed: {  	v48 =	vor.u32 v6, v16;
	v18 =	vbroadcast v18, $0x0;
	v47 =	vld.idx.msk [tilespmem:v41+s12+$0x0], $0xffff;
	[tilespmem:s31+$0x10] =	vst v35  }
0xee: {  	v16 =	vor.u32 v7, v16;
	v49 =	vld.idx.msk [tilespmem:v43+s12+$0x0], $0xffff;
	[tilespmem:s31+$0x20] =	vst v21  }
0xef: {  	v56 =	vor.u32 v1, v18;
	v50 =	vld.idx.msk [tilespmem:v44+s12+$0x0], $0xffff;
	[tilespmem:s31+$0x30] =	vst v38  }
0xf0: {  	s8 =	sadd.s32 $0xFFFFFF80, s25;
	v58 =	vor.u32 v3, v18;
	v51 =	vld.idx.msk [tilespmem:v45+s12+$0x0], $0xffff;
	[tilespmem:s31+$0x40] =	vst v40  }
0xf1: {  	s3 =	sand.u32 $0x300, s8;
	v60 =	vor.u32 v5, v18;
	v53 =	vld.idx.msk [tilespmem:v46+s12+$0x0], $0xffff;
	[tilespmem:s31+$0x50] =	vst v42  }
0xf2: {  	s3 =	sor.u32 s3, s26;
	v54 =	vld.idx.msk [tilespmem:v48+s12+$0x0], $0xffff;
	v57 =	vor.u32 v2, v18;
	[tilespmem:s31+$0x60] =	vst v27  }
0xf3: {  	v62 =	vor.u32 v7, v18;
	v55 =	vld.idx.msk [tilespmem:v16+s12+$0x0], $0xffff;
	[tilespmem:s3+$0x0] =	vst v8  }
0xf4: {  	v59 =	vor.u32 v4, v18;
	v9 =	vld.idx.msk [tilespmem:v56+s12+$0x0], $0xffff;
	[tilespmem:s3+$0x10] =	vst v47  }
0xf5: {  	v61 =	vor.u32 v6, v18;
	v11 =	vld.idx.msk [tilespmem:v58+s12+$0x0], $0xffff;
	[tilespmem:s3+$0x20] =	vst v49  }
0xf6: {  	v13 =	vld.idx.msk [tilespmem:v60+s12+$0x0], $0xffff;
	v8 =	vor.u32 v0, v18;
	[tilespmem:s3+$0x30] =	vst v50  }
0xf7: {  	[tilespmem:s3+$0x40] =	vst v51;
	v10 =	vld.idx.msk [tilespmem:v57+s12+$0x0], $0xffff  }
0xf8: {  	s29 =	sadd.s32 $0xFFFFFE80, s25;
	v14 =	vld.idx.msk [tilespmem:v62+s12+$0x0], $0xffff;
	[tilespmem:s3+$0x50] =	vst v53  }
0xf9: {  	s0 =	sand.u32 $0x200, s29;
	[tilespmem:s3+$0x60] =	vst v54;
	v12 =	vld.idx.msk [tilespmem:v59+s12+$0x0], $0xffff  }
0xfa: {  	s0 =	sor.u32 s0, s26;
	[tilespmem:s3+$0x70] =	vst v55;
	v63 =	vld.idx.msk [tilespmem:v61+s12+$0x0], $0xffff  }
0xfb: {  	v8 =	vld.idx.msk [tilespmem:v8+s12+$0x0], $0xffff;
	[tilespmem:s0+$0x10] =	vst v9  }
0xfc: {  	[tilespmem:s0+$0x20] =	vst v10  }
0xfd: {  	[tilespmem:s0+$0x30] =	vst v11  }
0xfe: {  	[tilespmem:s0+$0x40] =	vst v12  }
0xff: {  	s22 =	sadd.s32 $0x1, s22;
	[tilespmem:s0+$0x50] =	vst v13  }
0x100: {  	p0 =	sne.s32 s22, $0x64;
	[tilespmem:s0+$0x60] =	vst v63  }
.Ltmp2:
0x101: {  	[tilespmem:s0+$0x70] =	vst v14;
	(pc) =	sbr.rel @p0 .LBB2_2-.Ltmp2, $4  }
0x102: {  	s30 =	sadd.s32 s23, s7;
	[tilespmem:s0+$0x0] =	vst v8  }
0x103: {  	[hbm4b:s30+s14] =	stream.strided.scatter [tilespmem:s18], [sflag:$0x4], $0x2000, s15, s14, $0x38;
	[tilespmem:$0xE400] =	vst v63  }
0x104: {  	s31 =	sadd.s32 $0x180, s24  }
0x105: {  	[tilespmem:s12], [sflag:$0x2] =	stream.indirect.gather [hbm4b:s4+s10], $0x40, s31, s10, $0xb8;
	[tilespmem:$0xE400] =	vst v63  }
0x106: {  	_ =	swait.ge [sflag:s13], $0x2000  }
0x107: {  	[sflag:s13] =	ssyncset.done $0x0  }
0x108: {  	[sflag:s13] =	ssyncadd.s32 $0xFFFFE000  }
0x109: {  	_ =	swait.ge [sflag:s17], $0x2000  }
0x10a: {  	[sflag:s17] =	ssyncset.done $0x0  }
0x10b: {  	[sflag:s17] =	ssyncadd.s32 $0xFFFFE000  }
0x10c: {  	_ =	swait.ge [sflag:s19], $0x2000  }
0x10d: {  	[sflag:s19] =	ssyncset.done $0x0  }
0x10e: {  	[sflag:s19] =	ssyncadd.s32 $0xFFFFE000  }
0x10f: {  	_ =	swait.ge [sflag:s20], $0x2000  }
0x110: {  	s21 =	sadd.s32 $0x1, s21;
	s0 =	rddreg [dreg:$0x4]  }
0x111: {  	p0 =	sne.s32 s21, s0  }
.Ltmp3:
0x112: {  	_ = 	snop;
	(pc) =	sbr.rel @p0 .LBB2_1-.Ltmp3, $3  }
0x113: {  	_ =	sdelay $0x1  }
0x114: {  	[sflag:s20] =	ssyncset.done $0x0  }
0x115: {  	[sflag:s20] =	ssyncadd.s32 $0xFFFFE000  }
0x116: {  	_ =	sfence.sel $0x180000  }
0x117: {  	[bflag:$0x0] =	sbarrier.arrive $0xFFFF  }
0x118: {  	_ =	strace $0x90000047  }
0x119: {  	s0 =	stileid.u32;
	[bflag:$0x2] =	sbarrier.arrive $0xFFFF  }
0x11a: {  	p0 =	sne.s32 s0, $0x0;
	s0 =	rddreg [dreg:$0x2]  }
0x11b: {  	s0 =	sadd.s32 @!p0 $0x100000, s0  }
0x11c: {  	[sflag:s0] =	ssyncadd.tile.s32 @!p0 $0x1;
	_ =	shalt  }
.Lfunc_end2:
_tile_overlayer_lowered:
.L_overlay_start_2:
0x11d: {  	(tag) =	ssettag $0x2  }
0x11e: {  	s0 =	rddreg [dreg:$0x0];
	s2 =	stileid.u32  }
0x11f: {  	s1 =	rddreg [dreg:$0x1];
	p0 =	sne.s32 s2, $0x0  }
0x120: {  	s3 =	rddreg [dreg:$0x2];
	[bflag:$0x3] =	sbarrier.arrive $0xFFFF;
	s2 =	simm.s32 @!p0 $0x1C05  }
0x121: {  	[timem:s3], [sflag:s2] =	dma.local @!p0 [hbm:s0], s1  }
0x122: {  	s0 =	simm.s32 @!p0 $0x5  }
0x123: {  	_ =	swait.ge @!p0 [sflag:s0], s1  }
0x124: {  	s1 =	ssub.s32 @!p0 $0x0, s1;
	[sflag:s0] =	ssyncset.done @!p0 $0x0  }
0x125: {  	[sflag:s0] =	ssyncadd.s32 @!p0 s1  }
0x126: {  	[bflag:$0x3] =	sbarrier.arrive $0xFFFF  }
0x127: {  	_ =	shalt  }

</sc_bundles>
